<compile_context>
chip_gen: v7x
topology: tpu7x:2x2x1
jax: 0.10.2.dev20260603
libtpu: 0.0.44.dev20260713+nightly
codegen_flags: <defaults>
</compile_context>

<pallas_src>
import functools

import jax
import jax.numpy as jnp
from jax import lax
from jax.experimental import pallas as pl
from jax.experimental.pallas import tpu as pltpu
from jax.experimental.pallas import tpu_sc as plsc

N = 100000
EMB = 128
HID = 64
ROWS_BLK = 7168
GRID = 14
NBUF = 4

NC = 2
NS = 16
NW = NC * NS
CHUNK = 3136
NPAD = NW * CHUNK
LANES = 16
TAIL = NPAD - N
SC_SHORT = CHUNK - TAIL
VPAD = 100096


MLP_SHORT = ROWS_BLK - TAIL


def _mlp_body(x_hbm, w1t_ref, b1_ref, w2t_ref, b2_ref, out_ref, xbuf, sems):
    i = pl.program_id(0)

    def full_copy(blk):
        return pltpu.make_async_copy(
            x_hbm.at[pl.ds(blk * ROWS_BLK, ROWS_BLK)],
            xbuf.at[blk % NBUF],
            sems.at[blk % NBUF],
        )

    def short_copy(blk):
        return pltpu.make_async_copy(
            x_hbm.at[pl.ds(blk * ROWS_BLK, MLP_SHORT)],
            xbuf.at[blk % NBUF, pl.ds(0, MLP_SHORT)],
            sems.at[blk % NBUF],
        )

    def start(blk):
        @pl.when(blk < GRID - 1)
        def _f():
            full_copy(blk).start()

        @pl.when(blk == GRID - 1)
        def _s():
            short_copy(blk).start()

    @pl.when(i == 0)
    def _prime():
        for b in range(NBUF):
            full_copy(b).start()

    @pl.when(i < GRID - 1)
    def _wait_f():
        full_copy(i).wait()

    @pl.when(i == GRID - 1)
    def _wait_s():
        short_copy(i).wait()

    @pl.when(i + NBUF < GRID)
    def _prefetch():
        start(i + NBUF)

    xT = jnp.transpose(xbuf[i % NBUF])
    h = jnp.maximum(
        jnp.dot(w1t_ref[...], xT, preferred_element_type=jnp.float32)
        + b1_ref[...],
        0.0,
    )
    f = jnp.dot(w2t_ref[...], h, preferred_element_type=jnp.float32) + b2_ref[0]
    cols = i * ROWS_BLK + lax.broadcasted_iota(jnp.int32, (1, ROWS_BLK), 1)
    out_ref[...] = jnp.where(cols < N, f, 0.0)[None]


def _mlp_flows(node_emb, W1, b1, W2, b2):
    return pl.pallas_call(
        _mlp_body,
        grid=(GRID,),
        in_specs=[
            pl.BlockSpec(memory_space=pltpu.HBM),
            pl.BlockSpec((HID, EMB), lambda i: (0, 0)),
            pl.BlockSpec((HID, 1), lambda i: (0, 0)),
            pl.BlockSpec((1, HID), lambda i: (0, 0)),
            pl.BlockSpec(memory_space=pltpu.SMEM),
        ],
        out_specs=pl.BlockSpec((1, 1, ROWS_BLK), lambda i: (i, 0, 0)),
        out_shape=jax.ShapeDtypeStruct((GRID, 1, ROWS_BLK), jnp.float32),
        scratch_shapes=[
            pltpu.VMEM((NBUF, ROWS_BLK, EMB), jnp.float32),
            pltpu.SemaphoreType.DMA((NBUF,)),
        ],
    )(node_emb, W1.T, b1.reshape(HID, 1), W2.T, b2)


_SC_MESH = plsc.VectorSubcoreMesh(core_axis_name="c", subcore_axis_name="s")


@functools.partial(
    pl.kernel,
    mesh=_SC_MESH,
    compiler_params=pltpu.CompilerParams(
        use_tc_tiling_on_sc=False, needs_layout_passes=False
    ),
    out_type=(
        jax.ShapeDtypeStruct((NPAD,), jnp.float32),
        jax.ShapeDtypeStruct((NPAD,), jnp.float32),
    ),
    scratch_types=[
        pltpu.VMEM((VPAD,), jnp.float32),
        pltpu.VMEM((CHUNK,), jnp.int32),
        pltpu.VMEM((CHUNK,), jnp.int32),
        pltpu.VMEM((CHUNK,), jnp.float32),
        pltpu.VMEM((CHUNK,), jnp.float32),
    ],
)
def _edges_sc(ei_hbm, z0s_hbm, volt_hbm, vd_hbm, z0_hbm,
              voltv, rowv, colv, vdv, z0v):
    sid = lax.axis_index("s")
    wid = sid * NC + lax.axis_index("c")
    base = wid * CHUNK

    pltpu.sync_copy(volt_hbm, voltv.at[pl.ds(0, N)])

    @pl.when(wid < NW - 1)
    def _load_full():
        pltpu.sync_copy(ei_hbm.at[0, pl.ds(base, CHUNK)], rowv)
        pltpu.sync_copy(ei_hbm.at[1, pl.ds(base, CHUNK)], colv)
        pltpu.sync_copy(z0s_hbm.at[pl.ds(base, CHUNK)], z0v)

    @pl.when(wid == NW - 1)
    def _load_short():
        pltpu.sync_copy(ei_hbm.at[0, pl.ds(base, SC_SHORT)],
                        rowv.at[pl.ds(0, SC_SHORT)])
        pltpu.sync_copy(ei_hbm.at[1, pl.ds(base, SC_SHORT)],
                        colv.at[pl.ds(0, SC_SHORT)])
        pltpu.sync_copy(z0s_hbm.at[pl.ds(base, SC_SHORT)],
                        z0v.at[pl.ds(0, SC_SHORT)])

    nmax = jnp.full((LANES,), N - 1, jnp.int32)
    zero = jnp.zeros((LANES,), jnp.int32)

    def body(i, carry):
        sl = pl.ds(i * LANES, LANES)
        ri = jnp.minimum(jnp.maximum(rowv[sl], zero), nmax)
        ci = jnp.minimum(jnp.maximum(colv[sl], zero), nmax)
        vr = plsc.load_gather(voltv, [ri])
        vc = plsc.load_gather(voltv, [ci])
        vdv[sl] = vr - vc
        return carry

    lax.fori_loop(0, CHUNK // LANES, body, 0)
    pltpu.sync_copy(vdv, vd_hbm.at[pl.ds(base, CHUNK)])
    pltpu.sync_copy(z0v, z0_hbm.at[pl.ds(base, CHUNK)])


RES_GRID = 2
RES_BLK = NPAD // RES_GRID


def _res_body(vd_ref, fl_ref, z0_ref, o_ref):
    i = pl.program_id(0)

    @pl.when(i == 0)
    def _init():
        o_ref[0] = 0.0

    cols = i * RES_BLK + lax.broadcasted_iota(jnp.int32, (1, RES_BLK), 1)
    r = vd_ref[0] - z0_ref[0] * fl_ref[0]
    part = jnp.sum(jnp.where(cols < N, r * r, 0.0))
    o_ref[0] += part

    @pl.when(i == RES_GRID - 1)
    def _fini():
        o_ref[0] = o_ref[0] * (1.0 / N)


def _residual_loss(vd3, fl3, z03):
    return pl.pallas_call(
        _res_body,
        grid=(RES_GRID,),
        in_specs=[
            pl.BlockSpec((1, 1, RES_BLK), lambda i: (i, 0, 0)),
            pl.BlockSpec((1, 1, RES_BLK), lambda i: (i, 0, 0)),
            pl.BlockSpec((1, 1, RES_BLK), lambda i: (i, 0, 0)),
        ],
        out_specs=pl.BlockSpec(memory_space=pltpu.SMEM),
        out_shape=jax.ShapeDtypeStruct((1,), jnp.float32),
    )(vd3, fl3, z03)


def kernel(node_emb, voltages, edge_index, edge_attr, W1, b1, W2, b2):
    ei = edge_index.astype(jnp.int32)
    z0s = edge_attr[:, 0]
    vdiff, z0p = _edges_sc(ei, z0s, voltages)
    flows2 = _mlp_flows(node_emb, W1, b1, W2, b2)
    flows = flows2.reshape(NPAD)[:N]
    vd3 = vdiff.reshape(RES_GRID, 1, RES_BLK)
    z03 = z0p.reshape(RES_GRID, 1, RES_BLK)
    fl3 = flows2.reshape(RES_GRID, 1, RES_BLK)
    loss = _residual_loss(vd3, fl3, z03)[0]
    return (flows, loss)

# --- scband reference (transcript-rebuilt; emitter-appended) ---
"""Pipeline reference for scband-load-flow-pinn-57947698757718 (READ-ONLY COPY).

The authoritative reference and input builder live on the scoring server;
editing this copy changes nothing except your own understanding.
"""

import jax, jax.numpy as jnp
import numpy as np

N = 100000
EMB = 128

def setup_inputs(seed: int = 0) -> dict:
    key = jax.random.key(seed)
    ks = jax.random.split(key, 8)
    node_emb = jax.random.normal(ks[0], (N, EMB), dtype=jnp.float32)
    voltages = jax.random.normal(ks[1], (N,), dtype=jnp.float32)
    edge_index = jax.random.randint(ks[2], (2, N), 0, N, dtype=jnp.int64)
    edge_attr = jax.random.uniform(ks[3], (N, 4), dtype=jnp.float32)
    # flow_head params: Linear(EMB,64) -> ReLU -> Linear(64,1)
    W1 = jax.random.normal(ks[4], (EMB, 64), dtype=jnp.float32) * (1.0 / np.sqrt(EMB))
    b1 = jnp.zeros((64,), dtype=jnp.float32)
    W2 = jax.random.normal(ks[5], (64, 1), dtype=jnp.float32) * (1.0 / np.sqrt(64))
    b2 = jnp.zeros((1,), dtype=jnp.float32)
    return {"node_emb": node_emb, "voltages": voltages, "edge_index": edge_index,
            "edge_attr": edge_attr, "W1": W1, "b1": b1, "W2": W2, "b2": b2}

def reference(node_emb, voltages, edge_index, edge_attr, W1, b1, W2, b2):
    h = jax.nn.relu(node_emb @ W1 + b1)
    flows = jnp.squeeze(h @ W2 + b2, axis=-1)
    row = edge_index[0]
    col = edge_index[1]
    Z = edge_attr[:, :2]
    voltage_diff = jnp.take(voltages, row) - jnp.take(voltages, col)
    residual = voltage_diff - Z[:, 0] * flows
    loss = jnp.mean(residual ** 2)
    return (flows, loss)

if __name__ == "__main__":
    import jax
    _d = setup_inputs()
    print(jax.jit(kernel)(*tuple(_d.values())))

</pallas_src>

<mosaic_0001>
#map = affine_map<(d0, d1) -> (0, 0)>
#map1 = affine_map<(d0, d1) -> (0)>
module attributes {stable_mosaic.version = 14 : i64} {
  func.func @_edges_sc(%arg0: i32, %arg1: i32, %arg2: memref<2x100000xi32, #tpu.memory_space<hbm>>, %arg3: memref<100000xf32, #tpu.memory_space<hbm>>, %arg4: memref<100000xf32, #tpu.memory_space<hbm>>, %arg5: memref<100352xf32, #tpu.memory_space<hbm>>, %arg6: memref<100352xf32, #tpu.memory_space<hbm>>, %arg7: memref<100096xf32, #tpu.memory_space<vmem>>, %arg8: memref<3136xi32, #tpu.memory_space<vmem>>, %arg9: memref<3136xi32, #tpu.memory_space<vmem>>, %arg10: memref<3136xf32, #tpu.memory_space<vmem>>, %arg11: memref<3136xf32, #tpu.memory_space<vmem>>) attributes {dimension_semantics = [#tpu.dimension_semantics<core_parallel>, #tpu.dimension_semantics<subcore_parallel>], iteration_bounds = array<i64: 2, 16>, scalar_prefetch = 0 : i64, scratch_operands = 5 : i64, tpu.core_type = #tpu.core_type<sc_vector_subcore>, window_params = [{transform_indices = #map}, {transform_indices = #map1}, {transform_indices = #map1}, {transform_indices = #map1}, {transform_indices = #map1}]} {
    %mul3A = arith.constant 2 : i32
    %mul3A_0 = arith.muli %arg1, %mul3A : i32
    %add3A = arith.addi %mul3A_0, %arg0 : i32
    %mul3A_1 = arith.constant 3136 : i32
    %mul3A_2 = arith.muli %add3A, %mul3A_1 : i32
    "tpu.region"() ({
      %run_scoped3A = tpu.sem_alloc : memref<!tpu.dma_semaphore, #tpu.memory_space<semaphore_mem>>
      %dma_start3A = arith.constant 0 : i32
      %dma_start3A_17 = tpu.memref_slice %arg7[%dma_start3A] : memref<100096xf32, #tpu.memory_space<vmem>> -> memref<100000xf32, #tpu.memory_space<vmem>>
      %dma_start3A_18 = arith.constant 0 : i32
      %dma_start3A_19 = tpu.memref_slice %arg7[%dma_start3A_18] : memref<100096xf32, #tpu.memory_space<vmem>> -> memref<100000xf32, #tpu.memory_space<vmem>>
      tpu.enqueue_dma source(%arg4 : memref<100000xf32, #tpu.memory_space<hbm>>) target(%dma_start3A_19 : memref<100000xf32, #tpu.memory_space<vmem>>) target_semaphore(%run_scoped3A : memref<!tpu.dma_semaphore, #tpu.memory_space<semaphore_mem>>)
      %dma_wait3A = arith.constant 0 : i32
      %dma_wait3A_20 = tpu.memref_slice %arg7[%dma_wait3A] : memref<100096xf32, #tpu.memory_space<vmem>> -> memref<100000xf32, #tpu.memory_space<vmem>>
      %dma_wait3A_21 = arith.constant 0 : i32
      %dma_wait3A_22 = tpu.memref_slice %arg7[%dma_wait3A_21] : memref<100096xf32, #tpu.memory_space<vmem>> -> memref<100000xf32, #tpu.memory_space<vmem>>
      tpu.wait_dma2 semaphore(%run_scoped3A : memref<!tpu.dma_semaphore, #tpu.memory_space<semaphore_mem>>) src(%arg4 : memref<100000xf32, #tpu.memory_space<hbm>>) dst(%dma_wait3A_22 : memref<100000xf32, #tpu.memory_space<vmem>>)
      tpu.yield
    }) : () -> ()
    %lt3A = arith.constant 31 : i32
    %lt3A_3 = arith.cmpi slt, %add3A, %lt3A : i32
    %convert_element_type3A = arith.extui %lt3A_3 : i1 to i32
    %cond3A = arith.constant 0 : i32
    %cond3A_4 = arith.cmpi ne, %convert_element_type3A, %cond3A : i32
    scf.if %cond3A_4 {
      %run_scoped3A = arith.constant 0 : i32
      "tpu.region"() ({
        %run_scoped3A_18 = tpu.sem_alloc : memref<!tpu.dma_semaphore, #tpu.memory_space<semaphore_mem>>
        %dma_start3A = tpu.memref_slice %arg2[%run_scoped3A, %mul3A_2] : memref<2x100000xi32, #tpu.memory_space<hbm>> -> memref<1x3136xi32, #tpu.memory_space<hbm>>
        %dma_start3A_19 = tpu.memref_squeeze %dma_start3A : memref<1x3136xi32, #tpu.memory_space<hbm>> -> memref<3136xi32, #tpu.memory_space<hbm>>
        %dma_start3A_20 = tpu.memref_slice %arg2[%run_scoped3A, %mul3A_2] : memref<2x100000xi32, #tpu.memory_space<hbm>> -> memref<1x3136xi32, #tpu.memory_space<hbm>>
        %dma_start3A_21 = tpu.memref_squeeze %dma_start3A_20 : memref<1x3136xi32, #tpu.memory_space<hbm>> -> memref<3136xi32, #tpu.memory_space<hbm>>
        tpu.enqueue_dma source(%dma_start3A_21 : memref<3136xi32, #tpu.memory_space<hbm>>) target(%arg8 : memref<3136xi32, #tpu.memory_space<vmem>>) target_semaphore(%run_scoped3A_18 : memref<!tpu.dma_semaphore, #tpu.memory_space<semaphore_mem>>)
        %dma_wait3A = tpu.memref_slice %arg2[%run_scoped3A, %mul3A_2] : memref<2x100000xi32, #tpu.memory_space<hbm>> -> memref<1x3136xi32, #tpu.memory_space<hbm>>
        %dma_wait3A_22 = tpu.memref_squeeze %dma_wait3A : memref<1x3136xi32, #tpu.memory_space<hbm>> -> memref<3136xi32, #tpu.memory_space<hbm>>
        %dma_wait3A_23 = tpu.memref_slice %arg2[%run_scoped3A, %mul3A_2] : memref<2x100000xi32, #tpu.memory_space<hbm>> -> memref<1x3136xi32, #tpu.memory_space<hbm>>
        %dma_wait3A_24 = tpu.memref_squeeze %dma_wait3A_23 : memref<1x3136xi32, #tpu.memory_space<hbm>> -> memref<3136xi32, #tpu.memory_space<hbm>>
        tpu.wait_dma2 semaphore(%run_scoped3A_18 : memref<!tpu.dma_semaphore, #tpu.memory_space<semaphore_mem>>) src(%dma_wait3A_24 : memref<3136xi32, #tpu.memory_space<hbm>>) dst(%arg8 : memref<3136xi32, #tpu.memory_space<vmem>>)
        tpu.yield
      }) : () -> ()
      %run_scoped3A_17 = arith.constant 1 : i32
      "tpu.region"() ({
        %run_scoped3A_18 = tpu.sem_alloc : memref<!tpu.dma_semaphore, #tpu.memory_space<semaphore_mem>>
        %dma_start3A = tpu.memref_slice %arg2[%run_scoped3A_17, %mul3A_2] : memref<2x100000xi32, #tpu.memory_space<hbm>> -> memref<1x3136xi32, #tpu.memory_space<hbm>>
        %dma_start3A_19 = tpu.memref_squeeze %dma_start3A : memref<1x3136xi32, #tpu.memory_space<hbm>> -> memref<3136xi32, #tpu.memory_space<hbm>>
        %dma_start3A_20 = tpu.memref_slice %arg2[%run_scoped3A_17, %mul3A_2] : memref<2x100000xi32, #tpu.memory_space<hbm>> -> memref<1x3136xi32, #tpu.memory_space<hbm>>
        %dma_start3A_21 = tpu.memref_squeeze %dma_start3A_20 : memref<1x3136xi32, #tpu.memory_space<hbm>> -> memref<3136xi32, #tpu.memory_space<hbm>>
        tpu.enqueue_dma source(%dma_start3A_21 : memref<3136xi32, #tpu.memory_space<hbm>>) target(%arg9 : memref<3136xi32, #tpu.memory_space<vmem>>) target_semaphore(%run_scoped3A_18 : memref<!tpu.dma_semaphore, #tpu.memory_space<semaphore_mem>>)
        %dma_wait3A = tpu.memref_slice %arg2[%run_scoped3A_17, %mul3A_2] : memref<2x100000xi32, #tpu.memory_space<hbm>> -> memref<1x3136xi32, #tpu.memory_space<hbm>>
        %dma_wait3A_22 = tpu.memref_squeeze %dma_wait3A : memref<1x3136xi32, #tpu.memory_space<hbm>> -> memref<3136xi32, #tpu.memory_space<hbm>>
        %dma_wait3A_23 = tpu.memref_slice %arg2[%run_scoped3A_17, %mul3A_2] : memref<2x100000xi32, #tpu.memory_space<hbm>> -> memref<1x3136xi32, #tpu.memory_space<hbm>>
        %dma_wait3A_24 = tpu.memref_squeeze %dma_wait3A_23 : memref<1x3136xi32, #tpu.memory_space<hbm>> -> memref<3136xi32, #tpu.memory_space<hbm>>
        tpu.wait_dma2 semaphore(%run_scoped3A_18 : memref<!tpu.dma_semaphore, #tpu.memory_space<semaphore_mem>>) src(%dma_wait3A_24 : memref<3136xi32, #tpu.memory_space<hbm>>) dst(%arg9 : memref<3136xi32, #tpu.memory_space<vmem>>)
        tpu.yield
      }) : () -> ()
      "tpu.region"() ({
        %run_scoped3A_18 = tpu.sem_alloc : memref<!tpu.dma_semaphore, #tpu.memory_space<semaphore_mem>>
        %dma_start3A = tpu.memref_slice %arg3[%mul3A_2] : memref<100000xf32, #tpu.memory_space<hbm>> -> memref<3136xf32, #tpu.memory_space<hbm>>
        %dma_start3A_19 = tpu.memref_slice %arg3[%mul3A_2] : memref<100000xf32, #tpu.memory_space<hbm>> -> memref<3136xf32, #tpu.memory_space<hbm>>
        tpu.enqueue_dma source(%dma_start3A_19 : memref<3136xf32, #tpu.memory_space<hbm>>) target(%arg11 : memref<3136xf32, #tpu.memory_space<vmem>>) target_semaphore(%run_scoped3A_18 : memref<!tpu.dma_semaphore, #tpu.memory_space<semaphore_mem>>)
        %dma_wait3A = tpu.memref_slice %arg3[%mul3A_2] : memref<100000xf32, #tpu.memory_space<hbm>> -> memref<3136xf32, #tpu.memory_space<hbm>>
        %dma_wait3A_20 = tpu.memref_slice %arg3[%mul3A_2] : memref<100000xf32, #tpu.memory_space<hbm>> -> memref<3136xf32, #tpu.memory_space<hbm>>
        tpu.wait_dma2 semaphore(%run_scoped3A_18 : memref<!tpu.dma_semaphore, #tpu.memory_space<semaphore_mem>>) src(%dma_wait3A_20 : memref<3136xf32, #tpu.memory_space<hbm>>) dst(%arg11 : memref<3136xf32, #tpu.memory_space<vmem>>)
        tpu.yield
      }) : () -> ()
    } else {
    }
    %eq3A = arith.constant 31 : i32
    %eq3A_5 = arith.cmpi eq, %add3A, %eq3A : i32
    %convert_element_type3A_6 = arith.extui %eq3A_5 : i1 to i32
    %cond3A_7 = arith.constant 0 : i32
    %cond3A_8 = arith.cmpi ne, %convert_element_type3A_6, %cond3A_7 : i32
    scf.if %cond3A_8 {
      %run_scoped3A = arith.constant 0 : i32
      "tpu.region"() ({
        %run_scoped3A_18 = tpu.sem_alloc : memref<!tpu.dma_semaphore, #tpu.memory_space<semaphore_mem>>
        %dma_start3A = arith.constant 0 : i32
        %dma_start3A_19 = tpu.memref_slice %arg8[%dma_start3A] : memref<3136xi32, #tpu.memory_space<vmem>> -> memref<2784xi32, #tpu.memory_space<vmem>>
        %dma_start3A_20 = tpu.memref_slice %arg2[%run_scoped3A, %mul3A_2] : memref<2x100000xi32, #tpu.memory_space<hbm>> -> memref<1x2784xi32, #tpu.memory_space<hbm>>
        %dma_start3A_21 = tpu.memref_squeeze %dma_start3A_20 : memref<1x2784xi32, #tpu.memory_space<hbm>> -> memref<2784xi32, #tpu.memory_space<hbm>>
        %dma_start3A_22 = arith.constant 0 : i32
        %dma_start3A_23 = tpu.memref_slice %arg8[%dma_start3A_22] : memref<3136xi32, #tpu.memory_space<vmem>> -> memref<2784xi32, #tpu.memory_space<vmem>>
        %dma_start3A_24 = tpu.memref_slice %arg2[%run_scoped3A, %mul3A_2] : memref<2x100000xi32, #tpu.memory_space<hbm>> -> memref<1x2784xi32, #tpu.memory_space<hbm>>
        %dma_start3A_25 = tpu.memref_squeeze %dma_start3A_24 : memref<1x2784xi32, #tpu.memory_space<hbm>> -> memref<2784xi32, #tpu.memory_space<hbm>>
        tpu.enqueue_dma source(%dma_start3A_25 : memref<2784xi32, #tpu.memory_space<hbm>>) target(%dma_start3A_23 : memref<2784xi32, #tpu.memory_space<vmem>>) target_semaphore(%run_scoped3A_18 : memref<!tpu.dma_semaphore, #tpu.memory_space<semaphore_mem>>)
        %dma_wait3A = arith.constant 0 : i32
        %dma_wait3A_26 = tpu.memref_slice %arg8[%dma_wait3A] : memref<3136xi32, #tpu.memory_space<vmem>> -> memref<2784xi32, #tpu.memory_space<vmem>>
        %dma_wait3A_27 = tpu.memref_slice %arg2[%run_scoped3A, %mul3A_2] : memref<2x100000xi32, #tpu.memory_space<hbm>> -> memref<1x2784xi32, #tpu.memory_space<hbm>>
        %dma_wait3A_28 = tpu.memref_squeeze %dma_wait3A_27 : memref<1x2784xi32, #tpu.memory_space<hbm>> -> memref<2784xi32, #tpu.memory_space<hbm>>
        %dma_wait3A_29 = arith.constant 0 : i32
        %dma_wait3A_30 = tpu.memref_slice %arg8[%dma_wait3A_29] : memref<3136xi32, #tpu.memory_space<vmem>> -> memref<2784xi32, #tpu.memory_space<vmem>>
        %dma_wait3A_31 = tpu.memref_slice %arg2[%run_scoped3A, %mul3A_2] : memref<2x100000xi32, #tpu.memory_space<hbm>> -> memref<1x2784xi32, #tpu.memory_space<hbm>>
        %dma_wait3A_32 = tpu.memref_squeeze %dma_wait3A_31 : memref<1x2784xi32, #tpu.memory_space<hbm>> -> memref<2784xi32, #tpu.memory_space<hbm>>
        tpu.wait_dma2 semaphore(%run_scoped3A_18 : memref<!tpu.dma_semaphore, #tpu.memory_space<semaphore_mem>>) src(%dma_wait3A_32 : memref<2784xi32, #tpu.memory_space<hbm>>) dst(%dma_wait3A_30 : memref<2784xi32, #tpu.memory_space<vmem>>)
        tpu.yield
      }) : () -> ()
      %run_scoped3A_17 = arith.constant 1 : i32
      "tpu.region"() ({
        %run_scoped3A_18 = tpu.sem_alloc : memref<!tpu.dma_semaphore, #tpu.memory_space<semaphore_mem>>
        %dma_start3A = arith.constant 0 : i32
        %dma_start3A_19 = tpu.memref_slice %arg9[%dma_start3A] : memref<3136xi32, #tpu.memory_space<vmem>> -> memref<2784xi32, #tpu.memory_space<vmem>>
        %dma_start3A_20 = tpu.memref_slice %arg2[%run_scoped3A_17, %mul3A_2] : memref<2x100000xi32, #tpu.memory_space<hbm>> -> memref<1x2784xi32, #tpu.memory_space<hbm>>
        %dma_start3A_21 = tpu.memref_squeeze %dma_start3A_20 : memref<1x2784xi32, #tpu.memory_space<hbm>> -> memref<2784xi32, #tpu.memory_space<hbm>>
        %dma_start3A_22 = arith.constant 0 : i32
        %dma_start3A_23 = tpu.memref_slice %arg9[%dma_start3A_22] : memref<3136xi32, #tpu.memory_space<vmem>> -> memref<2784xi32, #tpu.memory_space<vmem>>
        %dma_start3A_24 = tpu.memref_slice %arg2[%run_scoped3A_17, %mul3A_2] : memref<2x100000xi32, #tpu.memory_space<hbm>> -> memref<1x2784xi32, #tpu.memory_space<hbm>>
        %dma_start3A_25 = tpu.memref_squeeze %dma_start3A_24 : memref<1x2784xi32, #tpu.memory_space<hbm>> -> memref<2784xi32, #tpu.memory_space<hbm>>
        tpu.enqueue_dma source(%dma_start3A_25 : memref<2784xi32, #tpu.memory_space<hbm>>) target(%dma_start3A_23 : memref<2784xi32, #tpu.memory_space<vmem>>) target_semaphore(%run_scoped3A_18 : memref<!tpu.dma_semaphore, #tpu.memory_space<semaphore_mem>>)
        %dma_wait3A = arith.constant 0 : i32
        %dma_wait3A_26 = tpu.memref_slice %arg9[%dma_wait3A] : memref<3136xi32, #tpu.memory_space<vmem>> -> memref<2784xi32, #tpu.memory_space<vmem>>
        %dma_wait3A_27 = tpu.memref_slice %arg2[%run_scoped3A_17, %mul3A_2] : memref<2x100000xi32, #tpu.memory_space<hbm>> -> memref<1x2784xi32, #tpu.memory_space<hbm>>
        %dma_wait3A_28 = tpu.memref_squeeze %dma_wait3A_27 : memref<1x2784xi32, #tpu.memory_space<hbm>> -> memref<2784xi32, #tpu.memory_space<hbm>>
        %dma_wait3A_29 = arith.constant 0 : i32
        %dma_wait3A_30 = tpu.memref_slice %arg9[%dma_wait3A_29] : memref<3136xi32, #tpu.memory_space<vmem>> -> memref<2784xi32, #tpu.memory_space<vmem>>
        %dma_wait3A_31 = tpu.memref_slice %arg2[%run_scoped3A_17, %mul3A_2] : memref<2x100000xi32, #tpu.memory_space<hbm>> -> memref<1x2784xi32, #tpu.memory_space<hbm>>
        %dma_wait3A_32 = tpu.memref_squeeze %dma_wait3A_31 : memref<1x2784xi32, #tpu.memory_space<hbm>> -> memref<2784xi32, #tpu.memory_space<hbm>>
        tpu.wait_dma2 semaphore(%run_scoped3A_18 : memref<!tpu.dma_semaphore, #tpu.memory_space<semaphore_mem>>) src(%dma_wait3A_32 : memref<2784xi32, #tpu.memory_space<hbm>>) dst(%dma_wait3A_30 : memref<2784xi32, #tpu.memory_space<vmem>>)
        tpu.yield
      }) : () -> ()
      "tpu.region"() ({
        %run_scoped3A_18 = tpu.sem_alloc : memref<!tpu.dma_semaphore, #tpu.memory_space<semaphore_mem>>
        %dma_start3A = arith.constant 0 : i32
        %dma_start3A_19 = tpu.memref_slice %arg11[%dma_start3A] : memref<3136xf32, #tpu.memory_space<vmem>> -> memref<2784xf32, #tpu.memory_space<vmem>>
        %dma_start3A_20 = tpu.memref_slice %arg3[%mul3A_2] : memref<100000xf32, #tpu.memory_space<hbm>> -> memref<2784xf32, #tpu.memory_space<hbm>>
        %dma_start3A_21 = arith.constant 0 : i32
        %dma_start3A_22 = tpu.memref_slice %arg11[%dma_start3A_21] : memref<3136xf32, #tpu.memory_space<vmem>> -> memref<2784xf32, #tpu.memory_space<vmem>>
        %dma_start3A_23 = tpu.memref_slice %arg3[%mul3A_2] : memref<100000xf32, #tpu.memory_space<hbm>> -> memref<2784xf32, #tpu.memory_space<hbm>>
        tpu.enqueue_dma source(%dma_start3A_23 : memref<2784xf32, #tpu.memory_space<hbm>>) target(%dma_start3A_22 : memref<2784xf32, #tpu.memory_space<vmem>>) target_semaphore(%run_scoped3A_18 : memref<!tpu.dma_semaphore, #tpu.memory_space<semaphore_mem>>)
        %dma_wait3A = arith.constant 0 : i32
        %dma_wait3A_24 = tpu.memref_slice %arg11[%dma_wait3A] : memref<3136xf32, #tpu.memory_space<vmem>> -> memref<2784xf32, #tpu.memory_space<vmem>>
        %dma_wait3A_25 = tpu.memref_slice %arg3[%mul3A_2] : memref<100000xf32, #tpu.memory_space<hbm>> -> memref<2784xf32, #tpu.memory_space<hbm>>
        %dma_wait3A_26 = arith.constant 0 : i32
        %dma_wait3A_27 = tpu.memref_slice %arg11[%dma_wait3A_26] : memref<3136xf32, #tpu.memory_space<vmem>> -> memref<2784xf32, #tpu.memory_space<vmem>>
        %dma_wait3A_28 = tpu.memref_slice %arg3[%mul3A_2] : memref<100000xf32, #tpu.memory_space<hbm>> -> memref<2784xf32, #tpu.memory_space<hbm>>
        tpu.wait_dma2 semaphore(%run_scoped3A_18 : memref<!tpu.dma_semaphore, #tpu.memory_space<semaphore_mem>>) src(%dma_wait3A_28 : memref<2784xf32, #tpu.memory_space<hbm>>) dst(%dma_wait3A_27 : memref<2784xf32, #tpu.memory_space<vmem>>)
        tpu.yield
      }) : () -> ()
    } else {
    }
    %broadcast_in_dim3A = arith.constant 99999 : i32
    %broadcast_in_dim3A_9 = vector.broadcast %broadcast_in_dim3A : i32 to vector<16xi32>
    %broadcast_in_dim3A_10 = arith.constant 0 : i32
    %broadcast_in_dim3A_11 = vector.broadcast %broadcast_in_dim3A_10 : i32 to vector<16xi32>
    %scan3A = arith.constant 0 : i32
    %scan3A_12 = arith.constant 0 : i32
    %scan3A_13 = arith.constant 196 : i32
    %scan3A_14 = arith.addi %scan3A_12, %scan3A_13 : i32
    %scan3A_15 = arith.constant 1 : i32
    scf.for %scan3A_17 = %scan3A_12 to %scan3A_14 step %scan3A_15  : i32 {
      %mul3A_18 = arith.constant 16 : i32
      %mul3A_19 = arith.muli %scan3A_17, %mul3A_18 : i32
      %get3A = arith.index_cast %mul3A_19 : i32 to index
      %get3A_20 = tpu.vector_load %arg8[%get3A] {strides = array<i32>} : memref<3136xi32, #tpu.memory_space<vmem>>, vector<16xi32>,
      %max3A = arith.maxsi %get3A_20, %broadcast_in_dim3A_11 : vector<16xi32>
      %min3A = arith.minsi %max3A, %broadcast_in_dim3A_9 : vector<16xi32>
      %get3A_21 = arith.index_cast %mul3A_19 : i32 to index
      %get3A_22 = tpu.vector_load %arg9[%get3A_21] {strides = array<i32>} : memref<3136xi32, #tpu.memory_space<vmem>>, vector<16xi32>,
      %max3A_23 = arith.maxsi %get3A_22, %broadcast_in_dim3A_11 : vector<16xi32>
      %min3A_24 = arith.minsi %max3A_23, %broadcast_in_dim3A_9 : vector<16xi32>
      %gather3A = tpu.vector_load_idx %arg7[%min3A] : memref<100096xf32, #tpu.memory_space<vmem>>[vector<16xi32>], vector<16xf32>,
      %gather3A_25 = tpu.vector_load_idx %arg7[%min3A_24] : memref<100096xf32, #tpu.memory_space<vmem>>[vector<16xi32>], vector<16xf32>,
      %sub3A = arith.subf %gather3A, %gather3A_25 : vector<16xf32>
      %swap3A = arith.index_cast %mul3A_19 : i32 to index
      %swap3A_26 = tpu.vector_load %arg10[%swap3A] {strides = array<i32>} : memref<3136xf32, #tpu.memory_space<vmem>>, vector<16xf32>,
      tpu.vector_store %arg10[%swap3A], %sub3A {strides = array<i32>} : memref<3136xf32, #tpu.memory_space<vmem>>, vector<16xf32>,
    }
    %scan3A_16 = arith.constant 196 : i32
    "tpu.region"() ({
      %run_scoped3A = tpu.sem_alloc : memref<!tpu.dma_semaphore, #tpu.memory_space<semaphore_mem>>
      %dma_start3A = tpu.memref_slice %arg5[%mul3A_2] : memref<100352xf32, #tpu.memory_space<hbm>> -> memref<3136xf32, #tpu.memory_space<hbm>>
      %dma_start3A_17 = tpu.memref_slice %arg5[%mul3A_2] : memref<100352xf32, #tpu.memory_space<hbm>> -> memref<3136xf32, #tpu.memory_space<hbm>>
      tpu.enqueue_dma source(%arg10 : memref<3136xf32, #tpu.memory_space<vmem>>) target(%dma_start3A_17 : memref<3136xf32, #tpu.memory_space<hbm>>) target_semaphore(%run_scoped3A : memref<!tpu.dma_semaphore, #tpu.memory_space<semaphore_mem>>)
      %dma_wait3A = tpu.memref_slice %arg5[%mul3A_2] : memref<100352xf32, #tpu.memory_space<hbm>> -> memref<3136xf32, #tpu.memory_space<hbm>>
      %dma_wait3A_18 = tpu.memref_slice %arg5[%mul3A_2] : memref<100352xf32, #tpu.memory_space<hbm>> -> memref<3136xf32, #tpu.memory_space<hbm>>
      tpu.wait_dma2 semaphore(%run_scoped3A : memref<!tpu.dma_semaphore, #tpu.memory_space<semaphore_mem>>) src(%arg10 : memref<3136xf32, #tpu.memory_space<vmem>>) dst(%dma_wait3A_18 : memref<3136xf32, #tpu.memory_space<hbm>>)
      tpu.yield
    }) : () -> ()
    "tpu.region"() ({
      %run_scoped3A = tpu.sem_alloc : memref<!tpu.dma_semaphore, #tpu.memory_space<semaphore_mem>>
      %dma_start3A = tpu.memref_slice %arg6[%mul3A_2] : memref<100352xf32, #tpu.memory_space<hbm>> -> memref<3136xf32, #tpu.memory_space<hbm>>
      %dma_start3A_17 = tpu.memref_slice %arg6[%mul3A_2] : memref<100352xf32, #tpu.memory_space<hbm>> -> memref<3136xf32, #tpu.memory_space<hbm>>
      tpu.enqueue_dma source(%arg11 : memref<3136xf32, #tpu.memory_space<vmem>>) target(%dma_start3A_17 : memref<3136xf32, #tpu.memory_space<hbm>>) target_semaphore(%run_scoped3A : memref<!tpu.dma_semaphore, #tpu.memory_space<semaphore_mem>>)
      %dma_wait3A = tpu.memref_slice %arg6[%mul3A_2] : memref<100352xf32, #tpu.memory_space<hbm>> -> memref<3136xf32, #tpu.memory_space<hbm>>
      %dma_wait3A_18 = tpu.memref_slice %arg6[%mul3A_2] : memref<100352xf32, #tpu.memory_space<hbm>> -> memref<3136xf32, #tpu.memory_space<hbm>>
      tpu.wait_dma2 semaphore(%run_scoped3A : memref<!tpu.dma_semaphore, #tpu.memory_space<semaphore_mem>>) src(%arg11 : memref<3136xf32, #tpu.memory_space<vmem>>) dst(%dma_wait3A_18 : memref<3136xf32, #tpu.memory_space<hbm>>)
      tpu.yield
    }) : () -> ()
    return
  }
}

module attributes {stable_mosaic.version = 14 : i64} {
  func.func @_res_body(%arg0: i32, %arg1: memref<1x1x50176xf32, #tpu.memory_space<vmem>>, %arg2: memref<1x1x50176xf32, #tpu.memory_space<vmem>>, %arg3: memref<1x1x50176xf32, #tpu.memory_space<vmem>>, %arg4: memref<1xf32, #tpu.memory_space<smem>>) attributes {dimension_semantics = [#tpu.dimension_semantics<arbitrary>], iteration_bounds = array<i64: 2>, scalar_prefetch = 0 : i64, scratch_operands = 0 : i64, tpu.core_type = #tpu.core_type<tc>, window_params = [{transform_indices = @transform_0, window_bounds = array<i64: 1, 1, 50176>}, {transform_indices = @transform_1, window_bounds = array<i64: 1, 1, 50176>}, {transform_indices = @transform_2, window_bounds = array<i64: 1, 1, 50176>}, {transform_indices = @transform_3, window_bounds = array<i64: 1>}]} {
    %eq3A = arith.constant 0 : i32
    %eq3A_0 = arith.cmpi eq, %arg0, %eq3A : i32
    %convert_element_type3A = arith.extui %eq3A_0 : i1 to i32
    %cond3A = arith.constant 0 : i32
    %cond3A_1 = arith.cmpi ne, %convert_element_type3A, %cond3A : i32
    scf.if %cond3A_1 {
      %swap3A_35 = arith.constant 0.000000e+00 : f32
      %swap3A_36 = arith.constant 0 : index
      %swap3A_37 = memref.load %arg4[%swap3A_36] : memref<1xf32, #tpu.memory_space<smem>>
      memref.store %swap3A_35, %arg4[%swap3A_36] : memref<1xf32, #tpu.memory_space<smem>>
    } else {
    }
    %mul3A = arith.constant 50176 : i32
    %mul3A_2 = arith.muli %arg0, %mul3A : i32
    %iota3A = tpu.iota {dimensions = array<i32: 1>} : vector<1x50176xi32>
    %add3A = vector.broadcast %mul3A_2 : i32 to vector<1x50176xi32>
    %add3A_3 = arith.addi %add3A, %iota3A : vector<1x50176xi32>
    %get3A = arith.constant 0 : index
    %get3A_4 = arith.constant 0 : index
    %get3A_5 = arith.constant 0 : index
    %get3A_6 = vector.load %arg1[%get3A, %get3A_4, %get3A_5] : memref<1x1x50176xf32, #tpu.memory_space<vmem>>, vector<1x1x50176xf32>
    %get3A_7 = vector.shape_cast %get3A_6 : vector<1x1x50176xf32> to vector<1x50176xf32>
    %get3A_8 = arith.constant 0 : index
    %get3A_9 = arith.constant 0 : index
    %get3A_10 = arith.constant 0 : index
    %get3A_11 = vector.load %arg3[%get3A_8, %get3A_9, %get3A_10] : memref<1x1x50176xf32, #tpu.memory_space<vmem>>, vector<1x1x50176xf32>
    %get3A_12 = vector.shape_cast %get3A_11 : vector<1x1x50176xf32> to vector<1x50176xf32>
    %get3A_13 = arith.constant 0 : index
    %get3A_14 = arith.constant 0 : index
    %get3A_15 = arith.constant 0 : index
    %get3A_16 = vector.load %arg2[%get3A_13, %get3A_14, %get3A_15] : memref<1x1x50176xf32, #tpu.memory_space<vmem>>, vector<1x1x50176xf32>
    %get3A_17 = vector.shape_cast %get3A_16 : vector<1x1x50176xf32> to vector<1x50176xf32>
    %mul3A_18 = arith.mulf %get3A_12, %get3A_17 : vector<1x50176xf32>
    %sub3A = arith.subf %get3A_7, %mul3A_18 : vector<1x50176xf32>
    %lt3A = arith.constant 100000 : i32
    %lt3A_19 = vector.broadcast %lt3A : i32 to vector<1x50176xi32>
    %lt3A_20 = arith.cmpi slt, %add3A_3, %lt3A_19 : vector<1x50176xi32>
    %mul3A_21 = arith.mulf %sub3A, %sub3A : vector<1x50176xf32>
    %jit3A = arith.constant 0.000000e+00 : f32
    %broadcast_in_dim3A = vector.broadcast %jit3A : f32 to vector<1x50176xf32>
    %select_n3A = arith.select %lt3A_20, %mul3A_21, %broadcast_in_dim3A : vector<1x50176xi1>, vector<1x50176xf32>
    %reduce_sum3A = vector.shape_cast %select_n3A : vector<1x50176xf32> to vector<1x1x50176xf32>
    %reduce_sum3A_22 = arith.constant dense<0.000000e+00> : vector<1xf32>
    %reduce_sum3A_23 = vector.multi_reduction <add>, %reduce_sum3A, %reduce_sum3A_22 [1, 2] : vector<1x1x50176xf32> to vector<1xf32>
    %reduce_sum3A_24 = vector.shape_cast %reduce_sum3A_23 : vector<1xf32> to vector<1x1x1xf32>
    %reduce_sum3A_25 = vector.extract %reduce_sum3A_24[0, 0, 0] : f32 from vector<1x1x1xf32>
    %get3A_26 = arith.constant 0 : index
    %get3A_27 = memref.load %arg4[%get3A_26] : memref<1xf32, #tpu.memory_space<smem>>
    %add3A_28 = arith.addf %get3A_27, %reduce_sum3A_25 : f32
    %swap3A = arith.constant 0 : index
    %swap3A_29 = memref.load %arg4[%swap3A] : memref<1xf32, #tpu.memory_space<smem>>
    memref.store %add3A_28, %arg4[%swap3A] : memref<1xf32, #tpu.memory_space<smem>>
    %eq3A_30 = arith.constant 1 : i32
    %eq3A_31 = arith.cmpi eq, %arg0, %eq3A_30 : i32
    %convert_element_type3A_32 = arith.extui %eq3A_31 : i1 to i32
    %cond3A_33 = arith.constant 0 : i32
    %cond3A_34 = arith.cmpi ne, %convert_element_type3A_32, %cond3A_33 : i32
    scf.if %cond3A_34 {
      %get3A_35 = arith.constant 0 : index
      %get3A_36 = memref.load %arg4[%get3A_35] : memref<1xf32, #tpu.memory_space<smem>>
      %mul3A_37 = arith.constant 9.99999974E-6 : f32
      %mul3A_38 = arith.mulf %get3A_36, %mul3A_37 : f32
      %swap3A_39 = arith.constant 0 : index
      %swap3A_40 = memref.load %arg4[%swap3A_39] : memref<1xf32, #tpu.memory_space<smem>>
      memref.store %mul3A_38, %arg4[%swap3A_39] : memref<1xf32, #tpu.memory_space<smem>>
    } else {
    }
    return
  }
  func.func @transform_0(%arg0: i32) -> (i32, i32, i32) {
    %c0_i32 = arith.constant 0 : i32
    %c0_i32_0 = arith.constant 0 : i32
    %c0_i32_1 = arith.constant 0 : i32
    return %arg0, %c0_i32, %c0_i32_0 : i32, i32, i32
  }
  func.func @transform_1(%arg0: i32) -> (i32, i32, i32) {
    %c0_i32 = arith.constant 0 : i32
    %c0_i32_0 = arith.constant 0 : i32
    %c0_i32_1 = arith.constant 0 : i32
    return %arg0, %c0_i32, %c0_i32_0 : i32, i32, i32
  }
  func.func @transform_2(%arg0: i32) -> (i32, i32, i32) {
    %c0_i32 = arith.constant 0 : i32
    %c0_i32_0 = arith.constant 0 : i32
    %c0_i32_1 = arith.constant 0 : i32
    return %arg0, %c0_i32, %c0_i32_0 : i32, i32, i32
  }
  func.func @transform_3(%arg0: i32) -> i32 {
    %c0_i32 = arith.constant 0 : i32
    %c0_i32_0 = arith.constant 0 : i32
    return %c0_i32 : i32
  }
}

module attributes {stable_mosaic.version = 14 : i64} {
  func.func @_mlp_body(%arg0: i32, %arg1: memref<100000x128xf32, #tpu.memory_space<hbm>>, %arg2: memref<64x128xf32, #tpu.memory_space<vmem>>, %arg3: memref<64x1xf32, #tpu.memory_space<vmem>>, %arg4: memref<1x64xf32, #tpu.memory_space<vmem>>, %arg5: memref<1xf32, #tpu.memory_space<smem>>, %arg6: memref<1x1x7168xf32, #tpu.memory_space<vmem>>, %arg7: memref<4x7168x128xf32, #tpu.memory_space<vmem>>, %arg8: memref<4x!tpu.dma_semaphore, #tpu.memory_space<semaphore_mem>>) attributes {dimension_semantics = [#tpu.dimension_semantics<arbitrary>], iteration_bounds = array<i64: 14>, scalar_prefetch = 0 : i64, scratch_operands = 2 : i64, tpu.core_type = #tpu.core_type<tc>, window_params = [{}, {pipeline_mode = #tpu.pipeline_mode<synchronous>, transform_indices = @transform_1, window_bounds = array<i64: 64, 128>}, {pipeline_mode = #tpu.pipeline_mode<synchronous>, transform_indices = @transform_2, window_bounds = array<i64: 64, 1>}, {pipeline_mode = #tpu.pipeline_mode<synchronous>, transform_indices = @transform_3, window_bounds = array<i64: 1, 64>}, {transform_indices = @transform_4, window_bounds = array<i64: 1>}, {transform_indices = @transform_5, window_bounds = array<i64: 1, 1, 7168>}]} {
    %eq3A = arith.constant 0 : i32
    %eq3A_0 = arith.cmpi eq, %arg0, %eq3A : i32
    %convert_element_type3A = arith.extui %eq3A_0 : i1 to i32
    %cond3A = arith.constant 0 : i32
    %cond3A_1 = arith.cmpi ne, %convert_element_type3A, %cond3A : i32
    scf.if %cond3A_1 {
      %dma_start3A = arith.constant 0 : i32
      %dma_start3A_64 = arith.constant 0 : i32
      %dma_start3A_65 = tpu.memref_slice %arg8[%dma_start3A_64] : memref<4x!tpu.dma_semaphore, #tpu.memory_space<semaphore_mem>> -> memref<1x!tpu.dma_semaphore, #tpu.memory_space<semaphore_mem>>
      %dma_start3A_66 = tpu.memref_squeeze %dma_start3A_65 : memref<1x!tpu.dma_semaphore, #tpu.memory_space<semaphore_mem>> -> memref<!tpu.dma_semaphore, #tpu.memory_space<semaphore_mem>>
      %dma_start3A_67 = arith.constant 0 : i32
      %dma_start3A_68 = arith.constant 0 : i32
      %dma_start3A_69 = tpu.memref_slice %arg7[%dma_start3A, %dma_start3A_67, %dma_start3A_68] : memref<4x7168x128xf32, #tpu.memory_space<vmem>> -> memref<1x7168x128xf32, #tpu.memory_space<vmem>>
      %dma_start3A_70 = tpu.memref_squeeze %dma_start3A_69 : memref<1x7168x128xf32, #tpu.memory_space<vmem>> -> memref<7168x128xf32, #tpu.memory_space<vmem>>
      %dma_start3A_71 = arith.constant 0 : i32
      %dma_start3A_72 = arith.constant 0 : i32
      %dma_start3A_73 = tpu.memref_slice %arg1[%dma_start3A_71, %dma_start3A_72] : memref<100000x128xf32, #tpu.memory_space<hbm>> -> memref<7168x128xf32, #tpu.memory_space<hbm>>
      tpu.enqueue_dma source(%dma_start3A_73 : memref<7168x128xf32, #tpu.memory_space<hbm>>) target(%dma_start3A_70 : memref<7168x128xf32, #tpu.memory_space<vmem>>) target_semaphore(%dma_start3A_66 : memref<!tpu.dma_semaphore, #tpu.memory_space<semaphore_mem>>)
      %dma_start3A_74 = arith.constant 1 : i32
      %dma_start3A_75 = arith.constant 1 : i32
      %dma_start3A_76 = tpu.memref_slice %arg8[%dma_start3A_75] : memref<4x!tpu.dma_semaphore, #tpu.memory_space<semaphore_mem>> -> memref<1x!tpu.dma_semaphore, #tpu.memory_space<semaphore_mem>>
      %dma_start3A_77 = tpu.memref_squeeze %dma_start3A_76 : memref<1x!tpu.dma_semaphore, #tpu.memory_space<semaphore_mem>> -> memref<!tpu.dma_semaphore, #tpu.memory_space<semaphore_mem>>
      %dma_start3A_78 = arith.constant 0 : i32
      %dma_start3A_79 = arith.constant 0 : i32
      %dma_start3A_80 = tpu.memref_slice %arg7[%dma_start3A_74, %dma_start3A_78, %dma_start3A_79] : memref<4x7168x128xf32, #tpu.memory_space<vmem>> -> memref<1x7168x128xf32, #tpu.memory_space<vmem>>
      %dma_start3A_81 = tpu.memref_squeeze %dma_start3A_80 : memref<1x7168x128xf32, #tpu.memory_space<vmem>> -> memref<7168x128xf32, #tpu.memory_space<vmem>>
      %dma_start3A_82 = arith.constant 7168 : i32
      %dma_start3A_83 = arith.constant 0 : i32
      %dma_start3A_84 = tpu.memref_slice %arg1[%dma_start3A_82, %dma_start3A_83] : memref<100000x128xf32, #tpu.memory_space<hbm>> -> memref<7168x128xf32, #tpu.memory_space<hbm>>
      tpu.enqueue_dma source(%dma_start3A_84 : memref<7168x128xf32, #tpu.memory_space<hbm>>) target(%dma_start3A_81 : memref<7168x128xf32, #tpu.memory_space<vmem>>) target_semaphore(%dma_start3A_77 : memref<!tpu.dma_semaphore, #tpu.memory_space<semaphore_mem>>)
      %dma_start3A_85 = arith.constant 2 : i32
      %dma_start3A_86 = arith.constant 2 : i32
      %dma_start3A_87 = tpu.memref_slice %arg8[%dma_start3A_86] : memref<4x!tpu.dma_semaphore, #tpu.memory_space<semaphore_mem>> -> memref<1x!tpu.dma_semaphore, #tpu.memory_space<semaphore_mem>>
      %dma_start3A_88 = tpu.memref_squeeze %dma_start3A_87 : memref<1x!tpu.dma_semaphore, #tpu.memory_space<semaphore_mem>> -> memref<!tpu.dma_semaphore, #tpu.memory_space<semaphore_mem>>
      %dma_start3A_89 = arith.constant 0 : i32
      %dma_start3A_90 = arith.constant 0 : i32
      %dma_start3A_91 = tpu.memref_slice %arg7[%dma_start3A_85, %dma_start3A_89, %dma_start3A_90] : memref<4x7168x128xf32, #tpu.memory_space<vmem>> -> memref<1x7168x128xf32, #tpu.memory_space<vmem>>
      %dma_start3A_92 = tpu.memref_squeeze %dma_start3A_91 : memref<1x7168x128xf32, #tpu.memory_space<vmem>> -> memref<7168x128xf32, #tpu.memory_space<vmem>>
      %dma_start3A_93 = arith.constant 14336 : i32
      %dma_start3A_94 = arith.constant 0 : i32
      %dma_start3A_95 = tpu.memref_slice %arg1[%dma_start3A_93, %dma_start3A_94] : memref<100000x128xf32, #tpu.memory_space<hbm>> -> memref<7168x128xf32, #tpu.memory_space<hbm>>
      tpu.enqueue_dma source(%dma_start3A_95 : memref<7168x128xf32, #tpu.memory_space<hbm>>) target(%dma_start3A_92 : memref<7168x128xf32, #tpu.memory_space<vmem>>) target_semaphore(%dma_start3A_88 : memref<!tpu.dma_semaphore, #tpu.memory_space<semaphore_mem>>)
      %dma_start3A_96 = arith.constant 3 : i32
      %dma_start3A_97 = arith.constant 3 : i32
      %dma_start3A_98 = tpu.memref_slice %arg8[%dma_start3A_97] : memref<4x!tpu.dma_semaphore, #tpu.memory_space<semaphore_mem>> -> memref<1x!tpu.dma_semaphore, #tpu.memory_space<semaphore_mem>>
      %dma_start3A_99 = tpu.memref_squeeze %dma_start3A_98 : memref<1x!tpu.dma_semaphore, #tpu.memory_space<semaphore_mem>> -> memref<!tpu.dma_semaphore, #tpu.memory_space<semaphore_mem>>
      %dma_start3A_100 = arith.constant 0 : i32
      %dma_start3A_101 = arith.constant 0 : i32
      %dma_start3A_102 = tpu.memref_slice %arg7[%dma_start3A_96, %dma_start3A_100, %dma_start3A_101] : memref<4x7168x128xf32, #tpu.memory_space<vmem>> -> memref<1x7168x128xf32, #tpu.memory_space<vmem>>
      %dma_start3A_103 = tpu.memref_squeeze %dma_start3A_102 : memref<1x7168x128xf32, #tpu.memory_space<vmem>> -> memref<7168x128xf32, #tpu.memory_space<vmem>>
      %dma_start3A_104 = arith.constant 21504 : i32
      %dma_start3A_105 = arith.constant 0 : i32
      %dma_start3A_106 = tpu.memref_slice %arg1[%dma_start3A_104, %dma_start3A_105] : memref<100000x128xf32, #tpu.memory_space<hbm>> -> memref<7168x128xf32, #tpu.memory_space<hbm>>
      tpu.enqueue_dma source(%dma_start3A_106 : memref<7168x128xf32, #tpu.memory_space<hbm>>) target(%dma_start3A_103 : memref<7168x128xf32, #tpu.memory_space<vmem>>) target_semaphore(%dma_start3A_99 : memref<!tpu.dma_semaphore, #tpu.memory_space<semaphore_mem>>)
    } else {
    }
    %lt3A = arith.constant 13 : i32
    %lt3A_2 = arith.cmpi slt, %arg0, %lt3A : i32
    %convert_element_type3A_3 = arith.extui %lt3A_2 : i1 to i32
    %cond3A_4 = arith.constant 0 : i32
    %cond3A_5 = arith.cmpi ne, %convert_element_type3A_3, %cond3A_4 : i32
    scf.if %cond3A_5 {
      %mul3A_64 = arith.constant 7168 : i32
      %mul3A_65 = arith.muli %arg0, %mul3A_64 : i32
      %jit3A_66 = arith.constant 4 : i32
      %eq3A_67 = arith.constant 0 : i32
      %eq3A_68 = arith.cmpi eq, %jit3A_66, %eq3A_67 : i32
      %jit3A_69 = arith.constant 1 : i32
      %select_n3A_70 = arith.select %eq3A_68, %jit3A_69, %jit3A_66 : i32
      %rem3A_71 = arith.remsi %arg0, %select_n3A_70 : i32
      %ne3A_72 = arith.constant 0 : i32
      %ne3A_73 = arith.cmpi ne, %rem3A_71, %ne3A_72 : i32
      %lt3A_74 = arith.constant 0 : i32
      %lt3A_75 = arith.cmpi slt, %rem3A_71, %lt3A_74 : i32
      %lt3A_76 = arith.constant 0 : i32
      %lt3A_77 = arith.cmpi slt, %select_n3A_70, %lt3A_76 : i32
      %ne3A_78 = arith.xori %lt3A_75, %lt3A_77 : i1
      %and3A_79 = arith.andi %ne3A_78, %ne3A_73 : i1
      %add3A_80 = arith.addi %rem3A_71, %select_n3A_70 : i32
      %select_n3A_81 = arith.select %and3A_79, %add3A_80, %rem3A_71 : i32
      %jit3A_82 = arith.constant 4 : i32
      %eq3A_83 = arith.constant 0 : i32
      %eq3A_84 = arith.cmpi eq, %jit3A_82, %eq3A_83 : i32
      %jit3A_85 = arith.constant 1 : i32
      %select_n3A_86 = arith.select %eq3A_84, %jit3A_85, %jit3A_82 : i32
      %rem3A_87 = arith.remsi %arg0, %select_n3A_86 : i32
      %ne3A_88 = arith.constant 0 : i32
      %ne3A_89 = arith.cmpi ne, %rem3A_87, %ne3A_88 : i32
      %lt3A_90 = arith.constant 0 : i32
      %lt3A_91 = arith.cmpi slt, %rem3A_87, %lt3A_90 : i32
      %lt3A_92 = arith.constant 0 : i32
      %lt3A_93 = arith.cmpi slt, %select_n3A_86, %lt3A_92 : i32
      %ne3A_94 = arith.xori %lt3A_91, %lt3A_93 : i1
      %and3A_95 = arith.andi %ne3A_94, %ne3A_89 : i1
      %add3A_96 = arith.addi %rem3A_87, %select_n3A_86 : i32
      %select_n3A_97 = arith.select %and3A_95, %add3A_96, %rem3A_87 : i32
      %dma_wait3A = tpu.memref_slice %arg8[%select_n3A_97] : memref<4x!tpu.dma_semaphore, #tpu.memory_space<semaphore_mem>> -> memref<1x!tpu.dma_semaphore, #tpu.memory_space<semaphore_mem>>
      %dma_wait3A_98 = tpu.memref_squeeze %dma_wait3A : memref<1x!tpu.dma_semaphore, #tpu.memory_space<semaphore_mem>> -> memref<!tpu.dma_semaphore, #tpu.memory_space<semaphore_mem>>
      %dma_wait3A_99 = arith.constant 0 : i32
      %dma_wait3A_100 = arith.constant 0 : i32
      %dma_wait3A_101 = tpu.memref_slice %arg7[%select_n3A_81, %dma_wait3A_99, %dma_wait3A_100] : memref<4x7168x128xf32, #tpu.memory_space<vmem>> -> memref<1x7168x128xf32, #tpu.memory_space<vmem>>
      %dma_wait3A_102 = tpu.memref_squeeze %dma_wait3A_101 : memref<1x7168x128xf32, #tpu.memory_space<vmem>> -> memref<7168x128xf32, #tpu.memory_space<vmem>>
      %dma_wait3A_103 = arith.constant 0 : i32
      %dma_wait3A_104 = tpu.memref_slice %arg1[%mul3A_65, %dma_wait3A_103] : memref<100000x128xf32, #tpu.memory_space<hbm>> -> memref<7168x128xf32, #tpu.memory_space<hbm>>
      tpu.wait_dma2 semaphore(%dma_wait3A_98 : memref<!tpu.dma_semaphore, #tpu.memory_space<semaphore_mem>>) src(%dma_wait3A_104 : memref<7168x128xf32, #tpu.memory_space<hbm>>) dst(%dma_wait3A_102 : memref<7168x128xf32, #tpu.memory_space<vmem>>)
    } else {
    }
    %eq3A_6 = arith.constant 13 : i32
    %eq3A_7 = arith.cmpi eq, %arg0, %eq3A_6 : i32
    %convert_element_type3A_8 = arith.extui %eq3A_7 : i1 to i32
    %cond3A_9 = arith.constant 0 : i32
    %cond3A_10 = arith.cmpi ne, %convert_element_type3A_8, %cond3A_9 : i32
    scf.if %cond3A_10 {
      %mul3A_64 = arith.constant 7168 : i32
      %mul3A_65 = arith.muli %arg0, %mul3A_64 : i32
      %jit3A_66 = arith.constant 4 : i32
      %eq3A_67 = arith.constant 0 : i32
      %eq3A_68 = arith.cmpi eq, %jit3A_66, %eq3A_67 : i32
      %jit3A_69 = arith.constant 1 : i32
      %select_n3A_70 = arith.select %eq3A_68, %jit3A_69, %jit3A_66 : i32
      %rem3A_71 = arith.remsi %arg0, %select_n3A_70 : i32
      %ne3A_72 = arith.constant 0 : i32
      %ne3A_73 = arith.cmpi ne, %rem3A_71, %ne3A_72 : i32
      %lt3A_74 = arith.constant 0 : i32
      %lt3A_75 = arith.cmpi slt, %rem3A_71, %lt3A_74 : i32
      %lt3A_76 = arith.constant 0 : i32
      %lt3A_77 = arith.cmpi slt, %select_n3A_70, %lt3A_76 : i32
      %ne3A_78 = arith.xori %lt3A_75, %lt3A_77 : i1
      %and3A_79 = arith.andi %ne3A_78, %ne3A_73 : i1
      %add3A_80 = arith.addi %rem3A_71, %select_n3A_70 : i32
      %select_n3A_81 = arith.select %and3A_79, %add3A_80, %rem3A_71 : i32
      %jit3A_82 = arith.constant 4 : i32
      %eq3A_83 = arith.constant 0 : i32
      %eq3A_84 = arith.cmpi eq, %jit3A_82, %eq3A_83 : i32
      %jit3A_85 = arith.constant 1 : i32
      %select_n3A_86 = arith.select %eq3A_84, %jit3A_85, %jit3A_82 : i32
      %rem3A_87 = arith.remsi %arg0, %select_n3A_86 : i32
      %ne3A_88 = arith.constant 0 : i32
      %ne3A_89 = arith.cmpi ne, %rem3A_87, %ne3A_88 : i32
      %lt3A_90 = arith.constant 0 : i32
      %lt3A_91 = arith.cmpi slt, %rem3A_87, %lt3A_90 : i32
      %lt3A_92 = arith.constant 0 : i32
      %lt3A_93 = arith.cmpi slt, %select_n3A_86, %lt3A_92 : i32
      %ne3A_94 = arith.xori %lt3A_91, %lt3A_93 : i1
      %and3A_95 = arith.andi %ne3A_94, %ne3A_89 : i1
      %add3A_96 = arith.addi %rem3A_87, %select_n3A_86 : i32
      %select_n3A_97 = arith.select %and3A_95, %add3A_96, %rem3A_87 : i32
      %dma_wait3A = tpu.memref_slice %arg8[%select_n3A_97] : memref<4x!tpu.dma_semaphore, #tpu.memory_space<semaphore_mem>> -> memref<1x!tpu.dma_semaphore, #tpu.memory_space<semaphore_mem>>
      %dma_wait3A_98 = tpu.memref_squeeze %dma_wait3A : memref<1x!tpu.dma_semaphore, #tpu.memory_space<semaphore_mem>> -> memref<!tpu.dma_semaphore, #tpu.memory_space<semaphore_mem>>
      %dma_wait3A_99 = arith.constant 0 : i32
      %dma_wait3A_100 = arith.constant 0 : i32
      %dma_wait3A_101 = tpu.memref_slice %arg7[%select_n3A_81, %dma_wait3A_99, %dma_wait3A_100] : memref<4x7168x128xf32, #tpu.memory_space<vmem>> -> memref<1x6816x128xf32, #tpu.memory_space<vmem>>
      %dma_wait3A_102 = tpu.memref_squeeze %dma_wait3A_101 : memref<1x6816x128xf32, #tpu.memory_space<vmem>> -> memref<6816x128xf32, #tpu.memory_space<vmem>>
      %dma_wait3A_103 = arith.constant 0 : i32
      %dma_wait3A_104 = tpu.memref_slice %arg1[%mul3A_65, %dma_wait3A_103] : memref<100000x128xf32, #tpu.memory_space<hbm>> -> memref<6816x128xf32, #tpu.memory_space<hbm>>
      tpu.wait_dma2 semaphore(%dma_wait3A_98 : memref<!tpu.dma_semaphore, #tpu.memory_space<semaphore_mem>>) src(%dma_wait3A_104 : memref<6816x128xf32, #tpu.memory_space<hbm>>) dst(%dma_wait3A_102 : memref<6816x128xf32, #tpu.memory_space<vmem>>)
    } else {
    }
    %add3A = arith.constant 4 : i32
    %add3A_11 = arith.addi %arg0, %add3A : i32
    %lt3A_12 = arith.constant 14 : i32
    %lt3A_13 = arith.cmpi slt, %add3A_11, %lt3A_12 : i32
    %convert_element_type3A_14 = arith.extui %lt3A_13 : i1 to i32
    %cond3A_15 = arith.constant 0 : i32
    %cond3A_16 = arith.cmpi ne, %convert_element_type3A_14, %cond3A_15 : i32
    scf.if %cond3A_16 {
      %add3A_64 = arith.constant 4 : i32
      %add3A_65 = arith.addi %arg0, %add3A_64 : i32
      %lt3A_66 = arith.constant 13 : i32
      %lt3A_67 = arith.cmpi slt, %add3A_65, %lt3A_66 : i32
      %convert_element_type3A_68 = arith.extui %lt3A_67 : i1 to i32
      %cond3A_69 = arith.constant 0 : i32
      %cond3A_70 = arith.cmpi ne, %convert_element_type3A_68, %cond3A_69 : i32
      scf.if %cond3A_70 {
        %mul3A_76 = arith.constant 7168 : i32
        %mul3A_77 = arith.muli %add3A_65, %mul3A_76 : i32
        %jit3A_78 = arith.constant 4 : i32
        %eq3A_79 = arith.constant 0 : i32
        %eq3A_80 = arith.cmpi eq, %jit3A_78, %eq3A_79 : i32
        %jit3A_81 = arith.constant 1 : i32
        %select_n3A_82 = arith.select %eq3A_80, %jit3A_81, %jit3A_78 : i32
        %rem3A_83 = arith.remsi %add3A_65, %select_n3A_82 : i32
        %ne3A_84 = arith.constant 0 : i32
        %ne3A_85 = arith.cmpi ne, %rem3A_83, %ne3A_84 : i32
        %lt3A_86 = arith.constant 0 : i32
        %lt3A_87 = arith.cmpi slt, %rem3A_83, %lt3A_86 : i32
        %lt3A_88 = arith.constant 0 : i32
        %lt3A_89 = arith.cmpi slt, %select_n3A_82, %lt3A_88 : i32
        %ne3A_90 = arith.xori %lt3A_87, %lt3A_89 : i1
        %and3A_91 = arith.andi %ne3A_90, %ne3A_85 : i1
        %add3A_92 = arith.addi %rem3A_83, %select_n3A_82 : i32
        %select_n3A_93 = arith.select %and3A_91, %add3A_92, %rem3A_83 : i32
        %jit3A_94 = arith.constant 4 : i32
        %eq3A_95 = arith.constant 0 : i32
        %eq3A_96 = arith.cmpi eq, %jit3A_94, %eq3A_95 : i32
        %jit3A_97 = arith.constant 1 : i32
        %select_n3A_98 = arith.select %eq3A_96, %jit3A_97, %jit3A_94 : i32
        %rem3A_99 = arith.remsi %add3A_65, %select_n3A_98 : i32
        %ne3A_100 = arith.constant 0 : i32
        %ne3A_101 = arith.cmpi ne, %rem3A_99, %ne3A_100 : i32
        %lt3A_102 = arith.constant 0 : i32
        %lt3A_103 = arith.cmpi slt, %rem3A_99, %lt3A_102 : i32
        %lt3A_104 = arith.constant 0 : i32
        %lt3A_105 = arith.cmpi slt, %select_n3A_98, %lt3A_104 : i32
        %ne3A_106 = arith.xori %lt3A_103, %lt3A_105 : i1
        %and3A_107 = arith.andi %ne3A_106, %ne3A_101 : i1
        %add3A_108 = arith.addi %rem3A_99, %select_n3A_98 : i32
        %select_n3A_109 = arith.select %and3A_107, %add3A_108, %rem3A_99 : i32
        %dma_start3A = tpu.memref_slice %arg8[%select_n3A_109] : memref<4x!tpu.dma_semaphore, #tpu.memory_space<semaphore_mem>> -> memref<1x!tpu.dma_semaphore, #tpu.memory_space<semaphore_mem>>
        %dma_start3A_110 = tpu.memref_squeeze %dma_start3A : memref<1x!tpu.dma_semaphore, #tpu.memory_space<semaphore_mem>> -> memref<!tpu.dma_semaphore, #tpu.memory_space<semaphore_mem>>
        %dma_start3A_111 = arith.constant 0 : i32
        %dma_start3A_112 = arith.constant 0 : i32
        %dma_start3A_113 = tpu.memref_slice %arg7[%select_n3A_93, %dma_start3A_111, %dma_start3A_112] : memref<4x7168x128xf32, #tpu.memory_space<vmem>> -> memref<1x7168x128xf32, #tpu.memory_space<vmem>>
        %dma_start3A_114 = tpu.memref_squeeze %dma_start3A_113 : memref<1x7168x128xf32, #tpu.memory_space<vmem>> -> memref<7168x128xf32, #tpu.memory_space<vmem>>
        %dma_start3A_115 = arith.constant 0 : i32
        %dma_start3A_116 = tpu.memref_slice %arg1[%mul3A_77, %dma_start3A_115] : memref<100000x128xf32, #tpu.memory_space<hbm>> -> memref<7168x128xf32, #tpu.memory_space<hbm>>
        tpu.enqueue_dma source(%dma_start3A_116 : memref<7168x128xf32, #tpu.memory_space<hbm>>) target(%dma_start3A_114 : memref<7168x128xf32, #tpu.memory_space<vmem>>) target_semaphore(%dma_start3A_110 : memref<!tpu.dma_semaphore, #tpu.memory_space<semaphore_mem>>)
      } else {
      }
      %eq3A_71 = arith.constant 13 : i32
      %eq3A_72 = arith.cmpi eq, %add3A_65, %eq3A_71 : i32
      %convert_element_type3A_73 = arith.extui %eq3A_72 : i1 to i32
      %cond3A_74 = arith.constant 0 : i32
      %cond3A_75 = arith.cmpi ne, %convert_element_type3A_73, %cond3A_74 : i32
      scf.if %cond3A_75 {
        %mul3A_76 = arith.constant 7168 : i32
        %mul3A_77 = arith.muli %add3A_65, %mul3A_76 : i32
        %jit3A_78 = arith.constant 4 : i32
        %eq3A_79 = arith.constant 0 : i32
        %eq3A_80 = arith.cmpi eq, %jit3A_78, %eq3A_79 : i32
        %jit3A_81 = arith.constant 1 : i32
        %select_n3A_82 = arith.select %eq3A_80, %jit3A_81, %jit3A_78 : i32
        %rem3A_83 = arith.remsi %add3A_65, %select_n3A_82 : i32
        %ne3A_84 = arith.constant 0 : i32
        %ne3A_85 = arith.cmpi ne, %rem3A_83, %ne3A_84 : i32
        %lt3A_86 = arith.constant 0 : i32
        %lt3A_87 = arith.cmpi slt, %rem3A_83, %lt3A_86 : i32
        %lt3A_88 = arith.constant 0 : i32
        %lt3A_89 = arith.cmpi slt, %select_n3A_82, %lt3A_88 : i32
        %ne3A_90 = arith.xori %lt3A_87, %lt3A_89 : i1
        %and3A_91 = arith.andi %ne3A_90, %ne3A_85 : i1
        %add3A_92 = arith.addi %rem3A_83, %select_n3A_82 : i32
        %select_n3A_93 = arith.select %and3A_91, %add3A_92, %rem3A_83 : i32
        %jit3A_94 = arith.constant 4 : i32
        %eq3A_95 = arith.constant 0 : i32
        %eq3A_96 = arith.cmpi eq, %jit3A_94, %eq3A_95 : i32
        %jit3A_97 = arith.constant 1 : i32
        %select_n3A_98 = arith.select %eq3A_96, %jit3A_97, %jit3A_94 : i32
        %rem3A_99 = arith.remsi %add3A_65, %select_n3A_98 : i32
        %ne3A_100 = arith.constant 0 : i32
        %ne3A_101 = arith.cmpi ne, %rem3A_99, %ne3A_100 : i32
        %lt3A_102 = arith.constant 0 : i32
        %lt3A_103 = arith.cmpi slt, %rem3A_99, %lt3A_102 : i32
        %lt3A_104 = arith.constant 0 : i32
        %lt3A_105 = arith.cmpi slt, %select_n3A_98, %lt3A_104 : i32
        %ne3A_106 = arith.xori %lt3A_103, %lt3A_105 : i1
        %and3A_107 = arith.andi %ne3A_106, %ne3A_101 : i1
        %add3A_108 = arith.addi %rem3A_99, %select_n3A_98 : i32
        %select_n3A_109 = arith.select %and3A_107, %add3A_108, %rem3A_99 : i32
        %dma_start3A = tpu.memref_slice %arg8[%select_n3A_109] : memref<4x!tpu.dma_semaphore, #tpu.memory_space<semaphore_mem>> -> memref<1x!tpu.dma_semaphore, #tpu.memory_space<semaphore_mem>>
        %dma_start3A_110 = tpu.memref_squeeze %dma_start3A : memref<1x!tpu.dma_semaphore, #tpu.memory_space<semaphore_mem>> -> memref<!tpu.dma_semaphore, #tpu.memory_space<semaphore_mem>>
        %dma_start3A_111 = arith.constant 0 : i32
        %dma_start3A_112 = arith.constant 0 : i32
        %dma_start3A_113 = tpu.memref_slice %arg7[%select_n3A_93, %dma_start3A_111, %dma_start3A_112] : memref<4x7168x128xf32, #tpu.memory_space<vmem>> -> memref<1x6816x128xf32, #tpu.memory_space<vmem>>
        %dma_start3A_114 = tpu.memref_squeeze %dma_start3A_113 : memref<1x6816x128xf32, #tpu.memory_space<vmem>> -> memref<6816x128xf32, #tpu.memory_space<vmem>>
        %dma_start3A_115 = arith.constant 0 : i32
        %dma_start3A_116 = tpu.memref_slice %arg1[%mul3A_77, %dma_start3A_115] : memref<100000x128xf32, #tpu.memory_space<hbm>> -> memref<6816x128xf32, #tpu.memory_space<hbm>>
        tpu.enqueue_dma source(%dma_start3A_116 : memref<6816x128xf32, #tpu.memory_space<hbm>>) target(%dma_start3A_114 : memref<6816x128xf32, #tpu.memory_space<vmem>>) target_semaphore(%dma_start3A_110 : memref<!tpu.dma_semaphore, #tpu.memory_space<semaphore_mem>>)
      } else {
      }
    } else {
    }
    %jit3A = arith.constant 4 : i32
    %eq3A_17 = arith.constant 0 : i32
    %eq3A_18 = arith.cmpi eq, %jit3A, %eq3A_17 : i32
    %jit3A_19 = arith.constant 1 : i32
    %select_n3A = arith.select %eq3A_18, %jit3A_19, %jit3A : i32
    %rem3A = arith.remsi %arg0, %select_n3A : i32
    %ne3A = arith.constant 0 : i32
    %ne3A_20 = arith.cmpi ne, %rem3A, %ne3A : i32
    %lt3A_21 = arith.constant 0 : i32
    %lt3A_22 = arith.cmpi slt, %rem3A, %lt3A_21 : i32
    %lt3A_23 = arith.constant 0 : i32
    %lt3A_24 = arith.cmpi slt, %select_n3A, %lt3A_23 : i32
    %ne3A_25 = arith.xori %lt3A_22, %lt3A_24 : i1
    %and3A = arith.andi %ne3A_25, %ne3A_20 : i1
    %add3A_26 = arith.addi %rem3A, %select_n3A : i32
    %select_n3A_27 = arith.select %and3A, %add3A_26, %rem3A : i32
    %get3A = arith.index_cast %select_n3A_27 : i32 to index
    %get3A_28 = arith.constant 0 : index
    %get3A_29 = arith.constant 0 : index
    %get3A_30 = vector.load %arg7[%get3A, %get3A_28, %get3A_29] : memref<4x7168x128xf32, #tpu.memory_space<vmem>>, vector<1x7168x128xf32>
    %get3A_31 = vector.shape_cast %get3A_30 : vector<1x7168x128xf32> to vector<7168x128xf32>
    %transpose3A = tpu.transpose %get3A_31, [1, 0] : vector<7168x128xf32> -> vector<128x7168xf32>
    %get3A_32 = arith.constant 0 : index
    %get3A_33 = arith.constant 0 : index
    %get3A_34 = vector.load %arg2[%get3A_32, %get3A_33] : memref<64x128xf32, #tpu.memory_space<vmem>>, vector<64x128xf32>
    %dot_general3A = arith.constant dense<0.000000e+00> : vector<64x7168xf32>
    %dot_general3A_35 = tpu.matmul %get3A_34, %transpose3A, %dot_general3A {dimension_numbers = #tpu.dot_dimension_numbers<[1], [0], [0], [1], [0, 0, 1, 1], [], []>, transpose_lhs_hint = false} : vector<64x128xf32>, vector<128x7168xf32>, vector<64x7168xf32> -> vector<64x7168xf32>
    %get3A_36 = arith.constant 0 : index
    %get3A_37 = arith.constant 0 : index
    %get3A_38 = vector.load %arg3[%get3A_36, %get3A_37] : memref<64x1xf32, #tpu.memory_space<vmem>>, vector<64x1xf32>
    %add3A_39 = vector.broadcast %get3A_38 : vector<64x1xf32> to vector<64x7168xf32>
    %add3A_40 = arith.addf %dot_general3A_35, %add3A_39 : vector<64x7168xf32>
    %max3A = arith.constant 0.000000e+00 : f32
    %max3A_41 = vector.broadcast %max3A : f32 to vector<64x7168xf32>
    %max3A_42 = arith.maximumf %add3A_40, %max3A_41 : vector<64x7168xf32>
    %get3A_43 = arith.constant 0 : index
    %get3A_44 = arith.constant 0 : index
    %get3A_45 = vector.load %arg4[%get3A_43, %get3A_44] : memref<1x64xf32, #tpu.memory_space<vmem>>, vector<1x64xf32>
    %dot_general3A_46 = arith.constant dense<0.000000e+00> : vector<1x7168xf32>
    %dot_general3A_47 = tpu.matmul %get3A_45, %max3A_42, %dot_general3A_46 {dimension_numbers = #tpu.dot_dimension_numbers<[1], [0], [0], [1], [0, 0, 1, 1], [], []>, transpose_lhs_hint = false} : vector<1x64xf32>, vector<64x7168xf32>, vector<1x7168xf32> -> vector<1x7168xf32>
    %get3A_48 = arith.constant 0 : index
    %get3A_49 = memref.load %arg5[%get3A_48] : memref<1xf32, #tpu.memory_space<smem>>
    %add3A_50 = vector.broadcast %get3A_49 : f32 to vector<1x7168xf32>
    %add3A_51 = arith.addf %dot_general3A_47, %add3A_50 : vector<1x7168xf32>
    %mul3A = arith.constant 7168 : i32
    %mul3A_52 = arith.muli %arg0, %mul3A : i32
    %iota3A = tpu.iota {dimensions = array<i32: 1>} : vector<1x7168xi32>
    %add3A_53 = vector.broadcast %mul3A_52 : i32 to vector<1x7168xi32>
    %add3A_54 = arith.addi %add3A_53, %iota3A : vector<1x7168xi32>
    %lt3A_55 = arith.constant 100000 : i32
    %lt3A_56 = vector.broadcast %lt3A_55 : i32 to vector<1x7168xi32>
    %lt3A_57 = arith.cmpi slt, %add3A_54, %lt3A_56 : vector<1x7168xi32>
    %jit3A_58 = arith.constant 0.000000e+00 : f32
    %broadcast_in_dim3A = vector.broadcast %jit3A_58 : f32 to vector<1x7168xf32>
    %select_n3A_59 = arith.select %lt3A_57, %add3A_51, %broadcast_in_dim3A : vector<1x7168xi1>, vector<1x7168xf32>
    %broadcast_in_dim3A_60 = vector.shape_cast %select_n3A_59 : vector<1x7168xf32> to vector<1x1x7168xf32>
    %swap3A = arith.constant 0 : index
    %swap3A_61 = arith.constant 0 : index
    %swap3A_62 = arith.constant 0 : index
    %swap3A_63 = vector.load %arg6[%swap3A, %swap3A_61, %swap3A_62] : memref<1x1x7168xf32, #tpu.memory_space<vmem>>, vector<1x1x7168xf32>
    tpu.vector_store %arg6[%swap3A, %swap3A_61, %swap3A_62], %broadcast_in_dim3A_60 {strides = array<i32>} : memref<1x1x7168xf32, #tpu.memory_space<vmem>>, vector<1x1x7168xf32>,
    return
  }
  func.func @transform_1(%arg0: i32) -> (i32, i32) {
    %c0_i32 = arith.constant 0 : i32
    %c0_i32_0 = arith.constant 0 : i32
    %c0_i32_1 = arith.constant 0 : i32
    return %c0_i32, %c0_i32_0 : i32, i32
  }
  func.func @transform_2(%arg0: i32) -> (i32, i32) {
    %c0_i32 = arith.constant 0 : i32
    %c0_i32_0 = arith.constant 0 : i32
    %c0_i32_1 = arith.constant 0 : i32
    return %c0_i32, %c0_i32_0 : i32, i32
  }
  func.func @transform_3(%arg0: i32) -> (i32, i32) {
    %c0_i32 = arith.constant 0 : i32
    %c0_i32_0 = arith.constant 0 : i32
    %c0_i32_1 = arith.constant 0 : i32
    return %c0_i32, %c0_i32_0 : i32, i32
  }
  func.func @transform_4(%arg0: i32) -> i32 {
    %c0_i32 = arith.constant 0 : i32
    %c0_i32_0 = arith.constant 0 : i32
    return %c0_i32 : i32
  }
  func.func @transform_5(%arg0: i32) -> (i32, i32, i32) {
    %c0_i32 = arith.constant 0 : i32
    %c0_i32_0 = arith.constant 0 : i32
    %c0_i32_1 = arith.constant 0 : i32
    return %arg0, %c0_i32, %c0_i32_0 : i32, i32, i32
  }
}

</mosaic_0001>

<sc_bundles>
// kernel: kernel.5.cloned.1.call-start
scs
__scs_entry_jumppad:
0x0: {  	(pc) =	sbr.rel $0x88, $3  }
0x1: {  	(tag) =	ssettag $0x0;
	lr =	simm.s32 $0x1  }
0x2: {  	[smem:$0x3F99] =	sst lr;
	_ =	strace $0xD0000000  }
0x3: {  	_ = 	snop  }
0x4: {  	_ = 	snop  }
0x5: {  	_ = 	snop  }
0x6: {  	_ = 	snop  }
0x7: {  	_ = 	snop  }
__scs_overlays_trampoline_lowered:
0x8: {  	[smem:$0x3FA8] =	sst s0  }
0x9: {  	[smem:$0x3FA9] =	sst s1  }
0xa: {  	[smem:$0x3FAA] =	sst s2  }
0xb: {  	[smem:$0x3FAB] =	sst s3  }
0xc: {  	[smem:$0x3FAC] =	sst s4  }
0xd: {  	[smem:$0x3FAD] =	sst s5  }
0xe: {  	[smem:$0x3FAE] =	sst s6  }
0xf: {  	[smem:$0x3FAF] =	sst s7  }
0x10: {  	[smem:$0x3FB0] =	sst s8  }
0x11: {  	[smem:$0x3FB1] =	sst s9;
	s0 =	simm.s32 @!p0 $0x0  }
0x12: {  	s1 =	sld [smem:$0x3F97];
	s0 =	simm.s32 @p0 $0x1  }
0x13: {  	[smem:$0x3FB2] =	sst s0;
	s0 =	simm.s32 @!p1 $0x0  }
0x14: {  	s2 =	sld [smem:$0x3F96];
	s0 =	simm.s32 @p1 $0x1  }
0x15: {  	[smem:$0x3FB3] =	sst s0;
	s0 =	simm.s32 @!p2 $0x0  }
0x16: {  	s3 =	sld [smem:$0x3FDB];
	s0 =	simm.s32 @p2 $0x1  }
0x17: {  	s4 =	simm.s32 $0x1BF5;
	[smem:$0x3FB5] =	sst s0  }
0x18: {  	s0 =	sld [smem:$0x3F98];
	_ =	swait.ge [sflag:s4], $0x0  }
0x19: {  	s7 =	sld [smem:$0x3F99]  }
0x1a: {  	s8 =	sadd.s32 $0xFFFFE003, lr  }
0x1b: {  	s9 =	sadd.s32 $0xFFFFFEF7, lr;
	s5 =	simm.s32 $0xFFFFFFFF;
	p2 =	slt.u32 s8, $0xFFFFF086  }
0x1c: {  	p1 =	slt.u32 s9, $0xF7A;
	s5 =	simm.s32 @!p2 $0x0  }
0x1d: {  	s5 =	simm.s32 @p1 $0x1;
	p0 =	seq.s32 s7, s2  }
0x1e: {  	s7 =	smul.u32 @!p0 $0xF7A, s2;
	p2 =	seq.s32 @!p0 s5, $0x0  }
0x1f: {  	s9 =	smul.u32 $0xF7A, s1;
	s8 =	simm.s32 @!p0 $0x1BF5;
	p2 =	por !p2, p0  }
0x20: {  	[sflag:s8] =	ssyncset.s32 @!p0 $0xFFFFF086;
	s6 =	sadd.s32 @!p0 s3, s7;
	s7 =	simm.s32 @!p0 $0x108  }
0x21: {  	s3 =	sadd.s32 s3, s9;
	s6 =	sadd.s32 @!p0 $0x88, s6;
	s7 =	simm.s32 @p2 $0x1082  }
0x22: {  	[simem:s7], [sflag:s8] =	dma.local @!p0 [hbm:s6], $0xF7A  }
0x23: {  	s9 =	sor.u32 $0xD0000000, s2;
	s6 =	simm.s32 $0x108;
	_ =	swait.ge @!p0 [sflag:s8], $0x0  }
0x24: {  	s3 =	sadd.s32 $0x88, s3;
	s6 =	simm.s32 @!p1 $0x1082;
	[sflag:s4] =	ssyncset.s32 $0xFFFFF086  }
0x25: {  	[simem:s6], [sflag:s4] =	dma.local [hbm:s3], $0xF7A  }
0x26: {  	[smem:$0x3F99] =	sst s1;
	(tag) =	ssettag s2;
	_ =	strace s9  }
0x27: {  	s1 =	sld [smem:$0x3FA9]  }
0x28: {  	s2 =	sld [smem:$0x3FAA]  }
0x29: {  	s4 =	sld [smem:$0x3FAC]  }
0x2a: {  	p0 =	seq.s32 s5, $0x0;
	s5 =	sld [smem:$0x3FAD]  }
0x2b: {  	s6 =	sld [smem:$0x3FAE]  }
0x2c: {  	s7 =	sld [smem:$0x3FAF]  }
0x2d: {  	s3 =	simm.s32 $0x108;
	s8 =	sld [smem:$0x3FB0]  }
0x2e: {  	s3 =	simm.s32 @!p0 $0x1082;
	s9 =	sld [smem:$0x3FB1]  }
0x2f: {  	lr =	sadd.s32 s0, s3;
	s0 =	sld [smem:$0x3FA8]  }
0x30: {  	s3 =	sld [smem:$0x3FAB]  }
0x31: {  	[smem:$0x3FB4] =	sst s10  }
0x32: {  	s10 =	sld [smem:$0x3FB2];
	_ =	sdelay $0x3  }
0x33: {  	p0 =	seq.s32 s10, $0x1;
	s10 =	sld [smem:$0x3FB4];
	_ =	sdelay $0x3  }
0x34: {  	[smem:$0x3FB4] =	sst s10  }
0x35: {  	s10 =	sld [smem:$0x3FB3];
	_ =	sdelay $0x3  }
0x36: {  	p1 =	seq.s32 s10, $0x1;
	s10 =	sld [smem:$0x3FB4];
	_ =	sdelay $0x3  }
0x37: {  	[smem:$0x3FB4] =	sst s10  }
0x38: {  	s10 =	sld [smem:$0x3FB5]  }
0x39: {  	_ = 	snop;
	(pc) =	sbr.ind lr, $3  }
0x3a: {  	_ = 	snop  }
0x3b: {  	_ = 	snop  }
0x3c: {  	p2 =	seq.s32 s10, $0x1;
	s10 =	sld [smem:$0x3FB4]  }
0x3d: {  	_ =	shalt  }
0x3e: {  	_ =	shalt  }
0x3f: {  	_ =	shalt  }
0x40: {  	_ =	shalt  }
0x41: {  	_ =	shalt  }
0x42: {  	_ =	shalt  }
0x43: {  	_ =	shalt  }
0x44: {  	_ =	shalt  }
0x45: {  	_ =	shalt  }
0x46: {  	_ =	shalt  }
0x47: {  	_ =	shalt  }
0x48: {  	_ =	shalt  }
0x49: {  	_ =	shalt  }
0x4a: {  	_ =	shalt  }
0x4b: {  	_ =	shalt  }
0x4c: {  	_ =	shalt  }
0x4d: {  	_ =	shalt  }
0x4e: {  	_ =	shalt  }
0x4f: {  	_ =	shalt  }
0x50: {  	_ =	shalt  }
0x51: {  	_ =	shalt  }
0x52: {  	_ =	shalt  }
0x53: {  	_ =	shalt  }
0x54: {  	_ =	shalt  }
0x55: {  	_ =	shalt  }
0x56: {  	_ =	shalt  }
0x57: {  	_ =	shalt  }
0x58: {  	_ =	shalt  }
0x59: {  	_ =	shalt  }
0x5a: {  	_ =	shalt  }
0x5b: {  	_ =	shalt  }
0x5c: {  	_ =	shalt  }
0x5d: {  	_ =	shalt  }
0x5e: {  	_ =	shalt  }
0x5f: {  	_ =	shalt  }
0x60: {  	_ =	shalt  }
0x61: {  	_ =	shalt  }
0x62: {  	_ =	shalt  }
0x63: {  	_ =	shalt  }
0x64: {  	_ =	shalt  }
0x65: {  	_ =	shalt  }
0x66: {  	_ =	shalt  }
0x67: {  	_ =	shalt  }
0x68: {  	_ =	shalt  }
0x69: {  	_ =	shalt  }
0x6a: {  	_ =	shalt  }
0x6b: {  	_ =	shalt  }
0x6c: {  	_ =	shalt  }
0x6d: {  	_ =	shalt  }
0x6e: {  	_ =	shalt  }
0x6f: {  	_ =	shalt  }
0x70: {  	_ =	shalt  }
0x71: {  	_ =	shalt  }
0x72: {  	_ =	shalt  }
0x73: {  	_ =	shalt  }
0x74: {  	_ =	shalt  }
0x75: {  	_ =	shalt  }
0x76: {  	_ =	shalt  }
0x77: {  	_ =	shalt  }
0x78: {  	_ =	shalt  }
0x79: {  	_ =	shalt  }
0x7a: {  	_ =	shalt  }
0x7b: {  	_ =	shalt  }
0x7c: {  	_ =	shalt  }
0x7d: {  	_ =	shalt  }
0x7e: {  	_ =	shalt  }
0x7f: {  	_ =	shalt  }
0x80: {  	_ =	shalt  }
0x81: {  	_ =	shalt  }
0x82: {  	_ =	shalt  }
0x83: {  	_ =	shalt  }
0x84: {  	_ =	shalt  }
0x85: {  	_ =	shalt  }
0x86: {  	_ =	shalt  }
0x87: {  	_ =	shalt  }
.Lfunc_end0:
.L_simem_size_0:
called_computation_lowered:
.L_overlay_start_0:
0x88: {  	s2 =	sld [smem:$0x3FD9]  }
0x89: {  	s3 =	sld [smem:$0x3FFE];
	_ =	sdelay $0x1  }
0x8a: {  	s1 =	srdreg.scid  }
0x8b: {  	s0 =	sand.u32 $0x1, s1  }
0x8c: {  	s17 =	sshll.u32 s0, $0xA;
	s2 =	sadd.s32 s3, s2  }
0x8d: {  	s2 =	sadd.s32 s2, s17  }
0x8e: {  	[smem:$0x3FC0] =	sst s2  }
0x8f: {  	_ = 	snop  }
0x90: {  	s2 =	sld [smem:$0x3FC8];
	(tm) =	ssettm $0x1  }
0x91: {  	s18 =	sld [smem:$0x3FFB];
	_ =	sdelay $0x3  }
0x92: {  	_ =	strace s18  }
0x93: {  	s3 =	sld [smem:$0x3FFC];
	_ =	sdelay $0x3  }
0x94: {  	_ =	strace s3  }
0x95: {  	s3 =	sld [smem:$0x3FFD];
	_ =	sdelay $0x3  }
0x96: {  	_ =	strace s3  }
0x97: {  	_ =	strace $0x8FFFFFFF  }
0x98: {  	s19 =	sld [smem:$0x3FDB];
	_ =	sdelay $0x1  }
0x99: {  	s4 =	simm.s32 $_scs_section_size  }
0x9a: {  	s5 =	simm.s32 $_size__tile_overlayer_lowered;
	s6 =	simm.s32 $_tile_overlayer_lowered  }
0x9b: {  	s22 =	simm.s32 $0x1BFF;
	s21 =	sshll.u32 s6, $0x1;
	s3 =	sadd.s32 s4, s19  }
0x9c: {  	s7 =	simm.s32 $0x0;
	s20 =	sshll.u32 s5, $0x1;
	s5 =	sadd.s32 s21, s3  }
0x9d: {  	[timem:s7], [sflag:s22] =	dma.local [hbm:s5], s20  }
0x9e: {  	_ =	swait.ge [sflag:s22], s20  }
0x9f: {  	s4 =	ssub.s32 $0x0, s20;
	[sflag:s22] =	ssyncset.done $0x0  }
0xa0: {  	[sflag:s22] =	ssyncadd.s32 s4;
	_ =	sdelay $0x1  }
0xa1: {  	s23 =	simm.s32 $0x1B8B  }
0xa2: {  	_ =	swait.ge [sflag:s23], $0x1  }
0xa3: {  	[sflag:s23] =	ssyncset.done $0x0  }
0xa4: {  	s25 =	simm.s32 $0x1B8E;
	s24 =	sld [smem:$0x3FFE];
	[sflag:s23] =	ssyncadd.s32 $0xFFFFFFFF  }
0xa5: {  	s26 =	simm.s32 $execute0_lowered;
	[smem:$0x3FD2] =	sst s25  }
0xa6: {  	s5 =	sshll.u32 s26, $0x1;
	_ =	strace $0x80000046;
	[dreg:$0x1] =	wrdreg $0xFFFFFFFF  }
0xa7: {  	s28 =	simm.s32 $_size_execute0_lowered;
	s3 =	sadd.s32 s3, s5;
	[dreg:$0x0] =	wrdreg $0x0  }
0xa8: {  	s5 =	sshll.u32 s28, $0x1;
	[dreg:$0x2] =	wrdreg s3  }
0xa9: {  	[dreg:$0x3] =	wrdreg s5  }
0xaa: {  	[dreg:$0x4] =	wrdreg $0xC0  }
0xab: {  	_ =	task [dreg:s7], $0x5FFFF  }
0xac: {  	[dreg:$0x1] =	wrdreg $0xFFFFFFFF  }
0xad: {  	[dreg:$0x0] =	wrdreg $0x60  }
0xae: {  	[dreg:$0x2] =	wrdreg s24  }
0xaf: {  	[dreg:$0x3] =	wrdreg s2  }
0xb0: {  	[dreg:$0x4] =	wrdreg $0x9  }
0xb1: {  	_ =	task.clear_ibuf [dreg:s7], $0x5FFFF;
	_ =	strace $0x90000046  }
0xb2: {  	s29 =	simm.s32 $0x9;
	_ =	strace $0x80000048  }
0xb3: {  	_ =	swait.ge [sflag:s29], $0x1  }
0xb4: {  	[sflag:s29] =	ssyncadd.s32 $0xFFFFFFFF  }
0xb5: {  	_ =	strace $0x90000048  }
0xb6: {  	_ =	sfence  }
0xb7: {  	s30 =	sld [smem:$0x0];
	_ =	sdelay $0x2  }
0xb8: {  	s31 =	sshll.u32 s1, $0xD;
	s1 =	sshrl.u32 s1, $0x2  }
0xb9: {  	s3 =	sand.u32 $0x4000, s31;
	s1 =	sadd.s32 s1, s30  }
0xba: {  	s0 =	sor.u32 s3, s0;
	s1 =	sshll.u32 s1, $0x11  }
0xbb: {  	s0 =	sor.u32 s1, s0  }
0xbc: {  	s0 =	sadd.s32 $0x8F2B, s0  }
0xbd: {  	[sflag:s0] =	ssyncadd.remote.s32 $0x1  }
0xbe: {  	_ =	sfence.sel $0xFFFF  }
0xbf: {  	[dreg:$0x0] =	wrdreg $0xFFFFFFFF;
	(pc) =	sbr.abs _section_cstart, $3  }
0xc0: {  	[dreg:$0x1] =	wrdreg $0xFFFFFFFF  }
0xc1: {  	_ =	task.clear_ibuf [dreg:s7], $0x2FFFF;
	_ =	strace $0x9FFFFFFF  }
0xc2: {  	(tm) =	ssettm $0x7FFFFFFF  }
0xc3: {  	_ =	shalt  }
tec
execute0_lowered:
.L_overlay_start_1:
0x0: {  	(tag) =	ssettag $0x1  }
0x1: {  	s1 =	srdreg.scid;
	s9 =	rddreg [dreg:$0x0]  }
0x2: {  	s0 =	stileid.u32;
	s2 =	rddreg [dreg:$0x1]  }
0x3: {  	s3 =	simm.s32 $0x0;
	s14 =	simm.s32 $0x19F80;
	s15 =	simm.s32 $0x1ABC0  }
0x4: {  	s4 =	sand.u32 $0x1, s1;
	s30 =	sshll.u32 s0, $0x1;
	s1 =	rddreg [dreg:$0x2]  }
0x5: {  	s16 =	simm.s32 $0x0;
	[smem:$0x7FF] =	sst s3;
	s13 =	sor.u32 s4, s30  }
0x6: {  	s7 =	sadd.s32 $0x3F78, s9;
	s4 =	ssub.s32 $0x2, s4;
	s5 =	smul.u32 $0xC40, s13  }
0x7: {  	s8 =	sadd.s32 $0x704C, s9;
	_ =	strace $0x80000047;
	s31 =	sshrl.u32 s4, $0x1  }
0x8: {  	p0 =	seq.s32 s13, $0x1F;
	s12 =	ssub.s32 s4, s31;
	s5 =	sshrl.u32 s5, $0x3  }
0x9: {  	s13 =	simm.s32 $0x1;
	s12 =	smax.u32 s12, $0x1;
	s11 =	sadd.s32 s5, s9  }
0xa: {  	s9 =	sadd.s32 $0xA178, s9;
	s4 =	sadd.s32 $0x1000, s11;
	s5 =	sadd.s32 $0x40D4, s11  }
0xb: {  	s6 =	sadd.s32 $0x7200, s11;
	s10 =	sadd.s32 $0xA400, s11;
	s11 =	sadd.s32 $0xD600, s11  }
.LBB2_1:
0xc: {  	[tilespmem:s3], [sflag:$0x1] =	stream.linear.gather [hbm4b:s2+s3], $0x186A0, $0x38;
	[tilespmem:$0x1B800] =	vst v63  }
0xd: {  	_ =	swait.ge [sflag:s13], $0x186A0  }
0xe: {  	[sflag:s13] =	ssyncset.done $0x0  }
0xf: {  	s17 =	simm.s32 @p0 $0x0;
	s18 =	simm.s32 @p0 $0x18700;
	[sflag:s13] =	ssyncadd.s32 $0xFFFE7960  }
0x10: {  	[tilespmem:s18], [sflag:$0x1] =	stream.linear.gather @p0 [hbm4b:s7+s17], $0xAE0, $0x38;
	[tilespmem:$0x1B800] =	vst v63  }
0x11: {  	s18 =	simm.s32 @p0 $0x1  }
0x12: {  	_ =	swait.ge @p0 [sflag:s18], $0xAE0  }
0x13: {  	[sflag:s18] =	ssyncset.done @p0 $0x0  }
0x14: {  	s19 =	simm.s32 @p0 $0x19340;
	[sflag:s18] =	ssyncadd.s32 @p0 $0xFFFFF520  }
0x15: {  	[tilespmem:s19], [sflag:$0x1] =	stream.linear.gather @p0 [hbm4b:s8+s17], $0xAE0, $0x38;
	[tilespmem:$0x1B800] =	vst v63  }
0x16: {  	_ =	swait.ge @p0 [sflag:s18], $0xAE0  }
0x17: {  	[sflag:s18] =	ssyncset.done @p0 $0x0  }
0x18: {  	s19 =	simm.s32 @p0 $0x1ABC0;
	[sflag:s18] =	ssyncadd.s32 @p0 $0xFFFFF520  }
0x19: {  	[tilespmem:s19], [sflag:$0x1] =	stream.linear.gather @p0 [hbm4b:s9+s17], $0xAE0, $0x38;
	[tilespmem:$0x1B800] =	vst v63  }
0x1a: {  	_ =	swait.ge @p0 [sflag:s18], $0xAE0  }
0x1b: {  	[sflag:s18] =	ssyncset.done @p0 $0x0  }
0x1c: {  	s17 =	simm.s32 @!p0 $0x0;
	[sflag:s18] =	ssyncadd.s32 @p0 $0xFFFFF520;
	s18 =	simm.s32 @!p0 $0x18700  }
0x1d: {  	[tilespmem:s18], [sflag:$0x1] =	stream.linear.gather @!p0 [hbm4b:s4+s17], $0xC40, $0x38;
	[tilespmem:$0x1B800] =	vst v63  }
0x1e: {  	s18 =	simm.s32 @!p0 $0x1  }
0x1f: {  	_ =	swait.ge @!p0 [sflag:s18], $0xC40  }
0x20: {  	[sflag:s18] =	ssyncset.done @!p0 $0x0  }
0x21: {  	s19 =	simm.s32 @!p0 $0x19340;
	[sflag:s18] =	ssyncadd.s32 @!p0 $0xFFFFF3C0  }
0x22: {  	[tilespmem:s19], [sflag:$0x1] =	stream.linear.gather @!p0 [hbm4b:s5+s17], $0xC40, $0x38;
	[tilespmem:$0x1B800] =	vst v63  }
0x23: {  	_ =	swait.ge @!p0 [sflag:s18], $0xC40  }
0x24: {  	[sflag:s18] =	ssyncset.done @!p0 $0x0  }
0x25: {  	s19 =	simm.s32 @!p0 $0x1ABC0;
	[sflag:s18] =	ssyncadd.s32 @!p0 $0xFFFFF3C0  }
0x26: {  	[tilespmem:s19], [sflag:$0x1] =	stream.linear.gather @!p0 [hbm4b:s6+s17], $0xC40, $0x38;
	[tilespmem:$0x1B800] =	vst v63  }
0x27: {  	_ =	swait.ge @!p0 [sflag:s18], $0xC40  }
0x28: {  	[sflag:s18] =	ssyncset.done @!p0 $0x0  }
0x29: {  	[sflag:s18] =	ssyncadd.s32 @!p0 $0xFFFFF3C0;
	s18 =	simm.s32 $0x0  }
0x2a: {  	v0 =	vld [tilespmem:s18+$0x19340]  }
0x2b: {  	v1 =	vld [tilespmem:s18+$0x18700];
	_ =	sdelay $0x3  }
0x2c: {  	vm0 =	vgt.s32 v0, $0x0  }
0x2d: {  	vm1 =	vgt.s32 v1, $0x0;
	v0 =	vnsel vm0, $0x0, v0  }
0x2e: {  	v1 =	vnsel vm1, $0x0, v1;
	v0 =	vmin.u32 v0, $0x1869F  }
0x2f: {  	s17 =	simm.s32 $0x10;
	v1 =	vmin.u32 v1, $0x1869F  }
0x30: {  	v2 =	vld [tilespmem:s17+$0x19340]  }
0x31: {  	v3 =	vld [tilespmem:s17+$0x18700];
	_ =	sdelay $0x1  }
0x32: {  	v0 =	vld.idx.msk [tilespmem:v0+s3+$0x0], $0xffff  }
0x33: {  	v4 =	vld.idx.msk [tilespmem:v1+s3+$0x0], $0xffff  }
0x34: {  	vm14 =	vgt.s32 v2, $0x0  }
0x35: {  	vm15 =	vgt.s32 v3, $0x0;
	v1 =	vnsel vm14, $0x0, v2  }
0x36: {  	v2 =	vnsel vm15, $0x0, v3;
	v1 =	vmin.u32 v1, $0x1869F  }
0x37: {  	v2 =	vmin.u32 v2, $0x1869F  }
0x38: {  	s19 =	simm.s32 $0x20;
	v3 =	vsub.f32 v4, v0  }
0x39: {  	s20 =	simm.s32 $0xC0;
	v0 =	vld [tilespmem:s19+$0x19340]  }
.LBB2_2:
0x3a: {  	p1 =	sne.s32 s20, $0x30C0;
	v4 =	vld [tilespmem:s19+$0x18700];
	[tilespmem:s18+$0x19F80] =	vst v3;
	s18 =	smov.u32 s17;
	s17 =	smov.u32 s19  }
0x3b: {  	v3 =	vld.idx.msk [tilespmem:v1+s3+$0x0], $0xffff  }
0x3c: {  	v5 =	vld.idx.msk [tilespmem:v2+s3+$0x0], $0xffff;
	_ =	sdelay $0x1  }
0x3d: {  	vm0 =	vgt.s32 v0, $0x0  }
.Ltmp0:
0x3e: {  	vm1 =	vgt.s32 v4, $0x0;
	v0 =	vnsel vm0, $0x0, v0;
	(pc) =	sbr.rel @p1 .LBB2_2-.Ltmp0, $4  }
0x3f: {  	v2 =	vnsel vm1, $0x0, v4;
	v1 =	vmin.u32 v0, $0x1869F  }
0x40: {  	v2 =	vmin.u32 v2, $0x1869F  }
0x41: {  	s19 =	sshra.s32 s20, $0x2;
	v3 =	vsub.f32 v5, v3  }
0x42: {  	s20 =	sadd.s32 $0x40, s20;
	v0 =	vld [tilespmem:s19+$0x19340]  }
0x43: {  	_ =	sdelay $0x1  }
0x44: {  	v4 =	vld [tilespmem:s19+$0x18700]  }
0x45: {  	[tilespmem:s18+$0x19F80] =	vst v3  }
0x46: {  	v1 =	vld.idx.msk [tilespmem:v1+s3+$0x0], $0xffff  }
0x47: {  	v2 =	vld.idx.msk [tilespmem:v2+s3+$0x0], $0xffff  }
0x48: {  	vm0 =	vgt.s32 v0, $0x0  }
0x49: {  	vm1 =	vgt.s32 v4, $0x0;
	v0 =	vnsel vm0, $0x0, v0  }
0x4a: {  	v63 =	vnsel vm1, $0x0, v4;
	v0 =	vmin.u32 v0, $0x1869F  }
0x4b: {  	v3 =	vmin.u32 v63, $0x1869F  }
0x4c: {  	v1 =	vsub.f32 v2, v1;
	_ =	sdelay $0x1  }
0x4d: {  	[tilespmem:s17+$0x19F80] =	vst v1  }
0x4e: {  	v0 =	vld.idx.msk [tilespmem:v0+s3+$0x0], $0xffff  }
0x4f: {  	v1 =	vld.idx.msk [tilespmem:v3+s3+$0x0], $0xffff;
	_ =	sdelay $0x4  }
0x50: {  	v0 =	vsub.f32 v1, v0;
	_ =	sdelay $0x1  }
0x51: {  	[tilespmem:s19+$0x19F80] =	vst v0  }
0x52: {  	[hbm4b:s10+s3] =	stream.linear.scatter [tilespmem:s14], [sflag:$0x1], $0xC40, $0x38;
	[tilespmem:$0x1B800] =	vst v63  }
0x53: {  	s16 =	sadd.s32 $0x1, s16;
	_ =	swait.ge [sflag:s13], $0xC40  }
0x54: {  	p1 =	sne.s32 s16, s12;
	[sflag:s13] =	ssyncset.done $0x0  }
.Ltmp1:
0x55: {  	[sflag:s13] =	ssyncadd.s32 $0xFFFFF3C0;
	(pc) =	sbr.rel @p1 .LBB2_1-.Ltmp1, $4  }
0x56: {  	[hbm4b:s11+s3] =	stream.linear.scatter [tilespmem:s15], [sflag:$0x1], $0xC40, $0x38;
	[tilespmem:$0x1B800] =	vst v63  }
0x57: {  	_ =	swait.ge [sflag:s13], $0xC40  }
0x58: {  	[sflag:s13] =	ssyncset.done $0x0  }
0x59: {  	[sflag:s13] =	ssyncadd.s32 $0xFFFFF3C0  }
0x5a: {  	_ =	sfence.sel $0x180000  }
0x5b: {  	[bflag:$0x0] =	sbarrier.arrive $0xFFFF  }
0x5c: {  	p0 =	sne.s32 s0, $0x0;
	_ =	strace $0x90000047  }
0x5d: {  	s0 =	sadd.s32 @!p0 $0x100000, s1;
	[bflag:$0x2] =	sbarrier.arrive $0xFFFF  }
0x5e: {  	[sflag:s0] =	ssyncadd.tile.s32 @!p0 $0x1;
	_ =	shalt  }
.Lfunc_end2:
_tile_overlayer_lowered:
.L_overlay_start_2:
0x5f: {  	(tag) =	ssettag $0x2  }
0x60: {  	s0 =	rddreg [dreg:$0x0];
	s2 =	stileid.u32  }
0x61: {  	s1 =	rddreg [dreg:$0x1];
	p0 =	sne.s32 s2, $0x0  }
0x62: {  	s3 =	rddreg [dreg:$0x2];
	[bflag:$0x3] =	sbarrier.arrive $0xFFFF;
	s2 =	simm.s32 @!p0 $0x1C01  }
0x63: {  	[timem:s3], [sflag:s2] =	dma.local @!p0 [hbm:s0], s1  }
0x64: {  	s0 =	simm.s32 @!p0 $0x1  }
0x65: {  	_ =	swait.ge @!p0 [sflag:s0], s1  }
0x66: {  	s1 =	ssub.s32 @!p0 $0x0, s1;
	[sflag:s0] =	ssyncset.done @!p0 $0x0  }
0x67: {  	[sflag:s0] =	ssyncadd.s32 @!p0 s1  }
0x68: {  	[bflag:$0x3] =	sbarrier.arrive $0xFFFF  }
0x69: {  	_ =	shalt  }

</sc_bundles>
